<compile_context>
chip_gen: v7x
topology: tpu7x:2x2x1
jax: 0.10.2.dev20260603
libtpu: 0.0.44.dev20260713+nightly
codegen_flags: <defaults>
</compile_context>

<pallas_src>
import jax
import jax.numpy as jnp
from jax import lax
from jax.experimental import pallas as pl
from jax.experimental.pallas import tpu as pltpu
from jax.experimental.pallas import tpu_sc as plsc

_A = 30
_D = 128
_CMAX = 200
_CPAD = 208


def _prep_body(fvt_ref, atom_ref, cnt_ref, pos_ref, w_ref, b_ref,
               combo_ref, maskt_ref, fvp_ref):
    fvt = fvt_ref[...]
    maskt_ref[...] = (fvt > 0).astype(jnp.float32)
    fvp_ref[0:_A, :] = fvt
    fvp_ref[_A:, :] = jnp.zeros(
        (fvp_ref.shape[0] - _A, fvt.shape[1]), jnp.int32)
    base = atom_ref[...] + pos_ref[...]
    x = base[:, None, :] + cnt_ref[...][None, :, :]
    mean = jnp.mean(x, axis=-1, keepdims=True)
    xc = x - mean
    var = jnp.mean(xc * xc, axis=-1, keepdims=True)
    combo_ref[...] = xc * lax.rsqrt(var + 1e-5) * w_ref[...][None] + b_ref[...][None]


def _sc_gather(combo, fvt_lin, n_total, B):
    info = plsc.get_sparse_core_info()
    NC, NS = info.num_cores, info.num_subcores
    NW = NC * NS
    per_w = n_total // NW
    CH = 80
    NB = 6
    NCH = per_w // CH
    shift = B.bit_length() - 1
    mesh = plsc.VectorSubcoreMesh(core_axis_name="c", subcore_axis_name="s")

    def body(combo_hbm, fv_hbm, out_hbm, combo_sh, idx_v, *bufs):
        rows_bufs = bufs[:NB]
        gsems = bufs[NB:2 * NB]
        wsems = bufs[2 * NB:]
        cid = lax.axis_index("c")
        sid = lax.axis_index("s")
        wid = sid * NC + cid
        q0 = wid * per_w

        stg = (_A * _CPAD) // 15
        @pl.when(sid < 15)
        def _():
            pltpu.sync_copy(combo_hbm.at[pl.ds(sid * stg, stg)],
                            combo_sh.at[pl.ds(sid * stg, stg)])

        pltpu.sync_copy(fv_hbm.at[pl.ds(q0, per_w)], idx_v)

        def idx_body(j, _):
            v16 = idx_v[pl.ds(j * 16, 16)]
            a = lax.shift_right_logical(q0 + j * 16, shift)
            idx_v[pl.ds(j * 16, 16)] = a * _CPAD + lax.min(lax.max(v16, 0), _CMAX)
            return 0

        spr = (NB * CH) // 16
        lax.fori_loop(0, spr, idx_body, 0)
        plsc.subcore_barrier()

        def gstart(c, rows, sem):
            return pltpu.async_copy(
                combo_sh.at[idx_v.at[pl.ds(c * CH, CH)]], rows, sem)

        def wstart(c, rows, sem):
            pltpu.async_copy(rows, out_hbm.at[pl.ds(q0 + c * CH, CH)], sem)

        def wdrain(rows, sem):
            pltpu.make_async_copy(rows, out_hbm.at[pl.ds(q0, CH)], sem).wait()

        def ring(p, _):
            handles = []
            for k in range(NB):
                @pl.when(p > 0)
                def _(k=k):
                    wdrain(rows_bufs[k], wsems[k])
                handles.append(gstart(NB * p + k, rows_bufs[k], gsems[k]))
            @pl.when(p + 1 < NCH // NB)
            def _():
                lax.fori_loop((p + 1) * spr, (p + 2) * spr, idx_body, 0)
            for k in range(NB):
                handles[k].wait()
                wstart(NB * p + k, rows_bufs[k], wsems[k])
            return 0

        lax.fori_loop(0, NCH // NB, ring, 0)
        for k in range(NB):
            wdrain(rows_bufs[k], wsems[k])

    out = pl.kernel(
        body,
        out_type=jax.ShapeDtypeStruct((n_total, _D), jnp.float32),
        mesh=mesh,
        compiler_params=pltpu.CompilerParams(
            needs_layout_passes=False, use_tc_tiling_on_sc=True),
        scratch_types=[
            pltpu.VMEM_SHARED((_A * _CPAD, _D), jnp.float32),
            pltpu.VMEM((per_w,), jnp.int32),
            *([pltpu.VMEM((CH, _D), jnp.float32)] * NB),
            *([pltpu.SemaphoreType.DMA] * (2 * NB)),
        ],
    )(combo, fvt_lin)
    return out


def kernel(formula_vectors, atom_table, count_table, pos_table, ln_weight, ln_bias):
    B, A = formula_vectors.shape
    D = atom_table.shape[1]
    cnt_pad = jnp.pad(count_table, ((0, _CPAD - count_table.shape[0]), (0, 0)))
    fvt = formula_vectors.T
    combo3, maskt, fvp = pl.pallas_call(
        _prep_body,
        out_shape=[
            jax.ShapeDtypeStruct((_A, _CPAD, D), jnp.float32),
            jax.ShapeDtypeStruct((A, B), jnp.float32),
            jax.ShapeDtypeStruct((32, B), jnp.int32),
        ],
    )(fvt, atom_table, cnt_pad, pos_table,
      ln_weight.reshape(1, D), ln_bias.reshape(1, D))
    out = _sc_gather(combo3.reshape(_A * _CPAD, D), fvp.reshape(32 * B), B * A, B)
    return out.reshape(A, B, D).transpose(1, 0, 2), maskt.T

# --- scband reference (transcript-rebuilt; emitter-appended) ---
"""Pipeline reference for scband-formula-sequence-encoder-2508260901123 (READ-ONLY COPY).

The authoritative reference and input builder live on the scoring server;
editing this copy changes nothing except your own understanding.
"""

import jax, jax.numpy as jnp
import numpy as np


def _layer_norm(x, w, b, eps=1e-5):
    mean = jnp.mean(x, axis=-1, keepdims=True)
    var = jnp.mean((x - mean) ** 2, axis=-1, keepdims=True)
    return (x - mean) / jnp.sqrt(var + eps) * w + b


def setup_inputs(seed: int = 0) -> dict:
    key = jax.random.key(seed)
    ks = jax.random.split(key, 4)
    B, A, D, MC = 16384, 30, 128, 200
    formula_vectors = jax.random.randint(ks[0], (B, A), 0, MC + 1, dtype=jnp.int32)
    atom_table = jax.random.normal(ks[1], (A, D), dtype=jnp.float32) * 0.02
    count_table = jax.random.normal(ks[2], (MC + 1, D), dtype=jnp.float32) * 0.02
    pos_table = jax.random.normal(ks[3], (A, D), dtype=jnp.float32) * 0.02
    ln_weight = jnp.ones((D,), dtype=jnp.float32)
    ln_bias = jnp.zeros((D,), dtype=jnp.float32)
    return {
        "formula_vectors": formula_vectors,
        "atom_table": atom_table,
        "count_table": count_table,
        "pos_table": pos_table,
        "ln_weight": ln_weight,
        "ln_bias": ln_bias,
    }


def reference(formula_vectors, atom_table, count_table, pos_table, ln_weight, ln_bias):
    B, A = formula_vectors.shape
    atom_indices = jnp.broadcast_to(jnp.arange(A, dtype=jnp.int32)[None, :], (B, A))
    atom_emb = jnp.take(atom_table, atom_indices, axis=0)
    counts_clipped = jnp.clip(formula_vectors, 0, 200).astype(jnp.int32)
    count_emb = jnp.take(count_table, counts_clipped, axis=0)
    pos_emb = jnp.take(pos_table, atom_indices, axis=0)
    embeddings = _layer_norm(atom_emb + count_emb + pos_emb, ln_weight, ln_bias)
    mask = (formula_vectors > 0).astype(jnp.float32)
    return embeddings, mask

if __name__ == "__main__":
    import jax
    _d = setup_inputs()
    print(jax.jit(kernel)(*tuple(_d.values())))

</pallas_src>

<mosaic_0001>
#map = affine_map<(d0, d1) -> (0, 0)>
#map1 = affine_map<(d0, d1) -> (0)>
module attributes {stable_mosaic.version = 14 : i64} {
  func.func @body(%arg0: i32, %arg1: i32, %arg2: memref<6240x128xf32, #tpu.memory_space<hbm>>, %arg3: memref<524288xi32, #tpu.memory_space<hbm>>, %arg4: memref<491520x128xf32, #tpu.memory_space<hbm>>, %arg5: memref<6240x128xf32, #tpu.memory_space<vmem_shared>>, %arg6: memref<15360xi32, #tpu.memory_space<vmem>>, %arg7: memref<80x128xf32, #tpu.memory_space<vmem>>, %arg8: memref<80x128xf32, #tpu.memory_space<vmem>>, %arg9: memref<80x128xf32, #tpu.memory_space<vmem>>, %arg10: memref<80x128xf32, #tpu.memory_space<vmem>>, %arg11: memref<80x128xf32, #tpu.memory_space<vmem>>, %arg12: memref<80x128xf32, #tpu.memory_space<vmem>>, %arg13: memref<!tpu.dma_semaphore, #tpu.memory_space<semaphore_mem>>, %arg14: memref<!tpu.dma_semaphore, #tpu.memory_space<semaphore_mem>>, %arg15: memref<!tpu.dma_semaphore, #tpu.memory_space<semaphore_mem>>, %arg16: memref<!tpu.dma_semaphore, #tpu.memory_space<semaphore_mem>>, %arg17: memref<!tpu.dma_semaphore, #tpu.memory_space<semaphore_mem>>, %arg18: memref<!tpu.dma_semaphore, #tpu.memory_space<semaphore_mem>>, %arg19: memref<!tpu.dma_semaphore, #tpu.memory_space<semaphore_mem>>, %arg20: memref<!tpu.dma_semaphore, #tpu.memory_space<semaphore_mem>>, %arg21: memref<!tpu.dma_semaphore, #tpu.memory_space<semaphore_mem>>, %arg22: memref<!tpu.dma_semaphore, #tpu.memory_space<semaphore_mem>>, %arg23: memref<!tpu.dma_semaphore, #tpu.memory_space<semaphore_mem>>, %arg24: memref<!tpu.dma_semaphore, #tpu.memory_space<semaphore_mem>>) attributes {dimension_semantics = [#tpu.dimension_semantics<core_parallel>, #tpu.dimension_semantics<subcore_parallel>], iteration_bounds = array<i64: 2, 16>, scalar_prefetch = 0 : i64, scratch_operands = 20 : i64, tpu.core_type = #tpu.core_type<sc_vector_subcore>, window_params = [{transform_indices = #map}, {transform_indices = #map1}, {transform_indices = #map}]} {
    %mul3A = arith.constant 2 : i32
    %mul3A_0 = arith.muli %arg1, %mul3A : i32
    %add3A = arith.addi %mul3A_0, %arg0 : i32
    %mul3A_1 = arith.constant 15360 : i32
    %mul3A_2 = arith.muli %add3A, %mul3A_1 : i32
    %lt3A = arith.constant 15 : i32
    %lt3A_3 = arith.cmpi slt, %arg1, %lt3A : i32
    %convert_element_type3A = arith.extui %lt3A_3 : i1 to i32
    %cond3A = arith.constant 0 : i32
    %cond3A_4 = arith.cmpi ne, %convert_element_type3A, %cond3A : i32
    scf.if %cond3A_4 {
      %mul3A_41 = arith.constant 416 : i32
      %mul3A_42 = arith.muli %arg1, %mul3A_41 : i32
      %mul3A_43 = arith.constant 416 : i32
      %mul3A_44 = arith.muli %arg1, %mul3A_43 : i32
      "tpu.region"() ({
        %run_scoped3A = tpu.sem_alloc : memref<!tpu.dma_semaphore, #tpu.memory_space<semaphore_mem>>
        %dma_start3A = arith.constant 0 : i32
        %dma_start3A_45 = tpu.memref_slice %arg5[%mul3A_44, %dma_start3A] : memref<6240x128xf32, #tpu.memory_space<vmem_shared>> -> memref<416x128xf32, #tpu.memory_space<vmem_shared>>
        %dma_start3A_46 = arith.constant 0 : i32
        %dma_start3A_47 = tpu.memref_slice %arg2[%mul3A_42, %dma_start3A_46] : memref<6240x128xf32, #tpu.memory_space<hbm>> -> memref<416x128xf32, #tpu.memory_space<hbm>>
        tpu.enqueue_dma source(%dma_start3A_47 : memref<416x128xf32, #tpu.memory_space<hbm>>) target(%dma_start3A_45 : memref<416x128xf32, #tpu.memory_space<vmem_shared>>) target_semaphore(%run_scoped3A : memref<!tpu.dma_semaphore, #tpu.memory_space<semaphore_mem>>)
        %dma_wait3A_48 = arith.constant 0 : i32
        %dma_wait3A_49 = tpu.memref_slice %arg5[%mul3A_44, %dma_wait3A_48] : memref<6240x128xf32, #tpu.memory_space<vmem_shared>> -> memref<416x128xf32, #tpu.memory_space<vmem_shared>>
        %dma_wait3A_50 = arith.constant 0 : i32
        %dma_wait3A_51 = tpu.memref_slice %arg2[%mul3A_42, %dma_wait3A_50] : memref<6240x128xf32, #tpu.memory_space<hbm>> -> memref<416x128xf32, #tpu.memory_space<hbm>>
        tpu.wait_dma2 semaphore(%run_scoped3A : memref<!tpu.dma_semaphore, #tpu.memory_space<semaphore_mem>>) src(%dma_wait3A_51 : memref<416x128xf32, #tpu.memory_space<hbm>>) dst(%dma_wait3A_49 : memref<416x128xf32, #tpu.memory_space<vmem_shared>>)
        tpu.yield
      }) : () -> ()
    } else {
    }
    "tpu.region"() ({
      %run_scoped3A = tpu.sem_alloc : memref<!tpu.dma_semaphore, #tpu.memory_space<semaphore_mem>>
      %dma_start3A = tpu.memref_slice %arg3[%mul3A_2] : memref<524288xi32, #tpu.memory_space<hbm>> -> memref<15360xi32, #tpu.memory_space<hbm>>
      %dma_start3A_41 = tpu.memref_slice %arg3[%mul3A_2] : memref<524288xi32, #tpu.memory_space<hbm>> -> memref<15360xi32, #tpu.memory_space<hbm>>
      tpu.enqueue_dma source(%dma_start3A_41 : memref<15360xi32, #tpu.memory_space<hbm>>) target(%arg6 : memref<15360xi32, #tpu.memory_space<vmem>>) target_semaphore(%run_scoped3A : memref<!tpu.dma_semaphore, #tpu.memory_space<semaphore_mem>>)
      %dma_wait3A_42 = tpu.memref_slice %arg3[%mul3A_2] : memref<524288xi32, #tpu.memory_space<hbm>> -> memref<15360xi32, #tpu.memory_space<hbm>>
      %dma_wait3A_43 = tpu.memref_slice %arg3[%mul3A_2] : memref<524288xi32, #tpu.memory_space<hbm>> -> memref<15360xi32, #tpu.memory_space<hbm>>
      tpu.wait_dma2 semaphore(%run_scoped3A : memref<!tpu.dma_semaphore, #tpu.memory_space<semaphore_mem>>) src(%dma_wait3A_43 : memref<15360xi32, #tpu.memory_space<hbm>>) dst(%arg6 : memref<15360xi32, #tpu.memory_space<vmem>>)
      tpu.yield
    }) : () -> ()
    %scan3A = arith.constant 0 : i32
    %scan3A_5 = arith.constant 0 : i32
    %scan3A_6 = arith.constant 30 : i32
    %scan3A_7 = arith.addi %scan3A_5, %scan3A_6 : i32
    %scan3A_8 = arith.constant 1 : i32
    %scan3A_9 = scf.for %scan3A_41 = %scan3A_5 to %scan3A_7 step %scan3A_8 iter_args(%scan3A_42 = %scan3A) -> (i32)  : i32 {
      %mul3A_43 = arith.constant 16 : i32
      %mul3A_44 = arith.muli %scan3A_41, %mul3A_43 : i32
      %get3A = arith.index_cast %mul3A_44 : i32 to index
      %get3A_45 = tpu.vector_load %arg6[%get3A] {strides = array<i32>} : memref<15360xi32, #tpu.memory_space<vmem>>, vector<16xi32>,
      %mul3A_46 = arith.constant 16 : i32
      %mul3A_47 = arith.muli %scan3A_41, %mul3A_46 : i32
      %add3A_48 = arith.addi %mul3A_2, %mul3A_47 : i32
      %shift_right_logical3A = arith.constant 14 : i32
      %shift_right_logical3A_49 = arith.shrui %add3A_48, %shift_right_logical3A : i32
      %mul3A_50 = arith.constant 208 : i32
      %mul3A_51 = arith.muli %shift_right_logical3A_49, %mul3A_50 : i32
      %max3A = arith.constant 0 : i32
      %max3A_52 = vector.broadcast %max3A : i32 to vector<16xi32>
      %max3A_53 = arith.maxsi %get3A_45, %max3A_52 : vector<16xi32>
      %min3A = arith.constant 200 : i32
      %min3A_54 = vector.broadcast %min3A : i32 to vector<16xi32>
      %min3A_55 = arith.minsi %max3A_53, %min3A_54 : vector<16xi32>
      %add3A_56 = vector.broadcast %mul3A_51 : i32 to vector<16xi32>
      %add3A_57 = arith.addi %add3A_56, %min3A_55 : vector<16xi32>
      %mul3A_58 = arith.constant 16 : i32
      %mul3A_59 = arith.muli %scan3A_41, %mul3A_58 : i32
      %swap3A = arith.index_cast %mul3A_59 : i32 to index
      %swap3A_60 = tpu.vector_load %arg6[%swap3A] {strides = array<i32>} : memref<15360xi32, #tpu.memory_space<vmem>>, vector<16xi32>,
      tpu.vector_store %arg6[%swap3A], %add3A_57 {strides = array<i32>} : memref<15360xi32, #tpu.memory_space<vmem>>, vector<16xi32>,
      %scan3A_61 = arith.constant 0 : i32
      scf.yield %scan3A_61 : i32
    }
    %scan3A_10 = arith.constant 30 : i32
    %barrier3A = arith.constant 0 : index
    tpu.barrier barrier_id(%barrier3A)
    %scan3A_11 = arith.constant 0 : i32
    %scan3A_12 = arith.constant 0 : i32
    %scan3A_13 = arith.constant 32 : i32
    %scan3A_14 = arith.addi %scan3A_12, %scan3A_13 : i32
    %scan3A_15 = arith.constant 1 : i32
    %scan3A_16 = scf.for %scan3A_41 = %scan3A_12 to %scan3A_14 step %scan3A_15 iter_args(%scan3A_42 = %scan3A_11) -> (i32)  : i32 {
      %gt3A = arith.constant 0 : i32
      %gt3A_43 = arith.cmpi sgt, %scan3A_41, %gt3A : i32
      %convert_element_type3A_44 = arith.extui %gt3A_43 : i1 to i32
      %cond3A_45 = arith.constant 0 : i32
      %cond3A_46 = arith.cmpi ne, %convert_element_type3A_44, %cond3A_45 : i32
      scf.if %cond3A_46 {
        %dma_wait3A_229 = arith.constant 0 : i32
        %dma_wait3A_230 = tpu.memref_slice %arg4[%mul3A_2, %dma_wait3A_229] : memref<491520x128xf32, #tpu.memory_space<hbm>> -> memref<80x128xf32, #tpu.memory_space<hbm>>
        %dma_wait3A_231 = arith.constant 0 : i32
        %dma_wait3A_232 = tpu.memref_slice %arg4[%mul3A_2, %dma_wait3A_231] : memref<491520x128xf32, #tpu.memory_space<hbm>> -> memref<80x128xf32, #tpu.memory_space<hbm>>
        tpu.wait_dma2 semaphore(%arg19 : memref<!tpu.dma_semaphore, #tpu.memory_space<semaphore_mem>>) src(%arg7 : memref<80x128xf32, #tpu.memory_space<vmem>>) dst(%dma_wait3A_232 : memref<80x128xf32, #tpu.memory_space<hbm>>)
      } else {
      }
      %mul3A_47 = arith.constant 6 : i32
      %mul3A_48 = arith.muli %mul3A_47, %scan3A_41 : i32
      %add3A_49 = arith.constant 0 : i32
      %add3A_50 = arith.addi %mul3A_48, %add3A_49 : i32
      %mul3A_51 = arith.constant 80 : i32
      %mul3A_52 = arith.muli %add3A_50, %mul3A_51 : i32
      %dma_start3A = tpu.memref_slice %arg6[%mul3A_52] : memref<15360xi32, #tpu.memory_space<vmem>> -> memref<80xi32, #tpu.memory_space<vmem>>
      %dma_start3A_53 = arith.constant 0 : i32
      %dma_start3A_54 = arith.constant 0 : i32
      %dma_start3A_55 = tpu.memref_slice %arg5[%dma_start3A_53, %dma_start3A_54] : memref<6240x128xf32, #tpu.memory_space<vmem_shared>> -> memref<6240x128xf32, #tpu.memory_space<vmem_shared>>
      tpu.enqueue_indirect_dma source(%dma_start3A_55 : memref<6240x128xf32, #tpu.memory_space<vmem_shared>>) target(%arg7 : memref<80x128xf32, #tpu.memory_space<vmem>>) offsets(%dma_start3A : memref<80xi32, #tpu.memory_space<vmem>>) semaphore(%arg13 : memref<!tpu.dma_semaphore, #tpu.memory_space<semaphore_mem>>)
      %gt3A_56 = arith.constant 0 : i32
      %gt3A_57 = arith.cmpi sgt, %scan3A_41, %gt3A_56 : i32
      %convert_element_type3A_58 = arith.extui %gt3A_57 : i1 to i32
      %cond3A_59 = arith.constant 0 : i32
      %cond3A_60 = arith.cmpi ne, %convert_element_type3A_58, %cond3A_59 : i32
      scf.if %cond3A_60 {
        %dma_wait3A_229 = arith.constant 0 : i32
        %dma_wait3A_230 = tpu.memref_slice %arg4[%mul3A_2, %dma_wait3A_229] : memref<491520x128xf32, #tpu.memory_space<hbm>> -> memref<80x128xf32, #tpu.memory_space<hbm>>
        %dma_wait3A_231 = arith.constant 0 : i32
        %dma_wait3A_232 = tpu.memref_slice %arg4[%mul3A_2, %dma_wait3A_231] : memref<491520x128xf32, #tpu.memory_space<hbm>> -> memref<80x128xf32, #tpu.memory_space<hbm>>
        tpu.wait_dma2 semaphore(%arg20 : memref<!tpu.dma_semaphore, #tpu.memory_space<semaphore_mem>>) src(%arg8 : memref<80x128xf32, #tpu.memory_space<vmem>>) dst(%dma_wait3A_232 : memref<80x128xf32, #tpu.memory_space<hbm>>)
      } else {
      }
      %mul3A_61 = arith.constant 6 : i32
      %mul3A_62 = arith.muli %mul3A_61, %scan3A_41 : i32
      %add3A_63 = arith.constant 1 : i32
      %add3A_64 = arith.addi %mul3A_62, %add3A_63 : i32
      %mul3A_65 = arith.constant 80 : i32
      %mul3A_66 = arith.muli %add3A_64, %mul3A_65 : i32
      %dma_start3A_67 = tpu.memref_slice %arg6[%mul3A_66] : memref<15360xi32, #tpu.memory_space<vmem>> -> memref<80xi32, #tpu.memory_space<vmem>>
      %dma_start3A_68 = arith.constant 0 : i32
      %dma_start3A_69 = arith.constant 0 : i32
      %dma_start3A_70 = tpu.memref_slice %arg5[%dma_start3A_68, %dma_start3A_69] : memref<6240x128xf32, #tpu.memory_space<vmem_shared>> -> memref<6240x128xf32, #tpu.memory_space<vmem_shared>>
      tpu.enqueue_indirect_dma source(%dma_start3A_70 : memref<6240x128xf32, #tpu.memory_space<vmem_shared>>) target(%arg8 : memref<80x128xf32, #tpu.memory_space<vmem>>) offsets(%dma_start3A_67 : memref<80xi32, #tpu.memory_space<vmem>>) semaphore(%arg14 : memref<!tpu.dma_semaphore, #tpu.memory_space<semaphore_mem>>)
      %gt3A_71 = arith.constant 0 : i32
      %gt3A_72 = arith.cmpi sgt, %scan3A_41, %gt3A_71 : i32
      %convert_element_type3A_73 = arith.extui %gt3A_72 : i1 to i32
      %cond3A_74 = arith.constant 0 : i32
      %cond3A_75 = arith.cmpi ne, %convert_element_type3A_73, %cond3A_74 : i32
      scf.if %cond3A_75 {
        %dma_wait3A_229 = arith.constant 0 : i32
        %dma_wait3A_230 = tpu.memref_slice %arg4[%mul3A_2, %dma_wait3A_229] : memref<491520x128xf32, #tpu.memory_space<hbm>> -> memref<80x128xf32, #tpu.memory_space<hbm>>
        %dma_wait3A_231 = arith.constant 0 : i32
        %dma_wait3A_232 = tpu.memref_slice %arg4[%mul3A_2, %dma_wait3A_231] : memref<491520x128xf32, #tpu.memory_space<hbm>> -> memref<80x128xf32, #tpu.memory_space<hbm>>
        tpu.wait_dma2 semaphore(%arg21 : memref<!tpu.dma_semaphore, #tpu.memory_space<semaphore_mem>>) src(%arg9 : memref<80x128xf32, #tpu.memory_space<vmem>>) dst(%dma_wait3A_232 : memref<80x128xf32, #tpu.memory_space<hbm>>)
      } else {
      }
      %mul3A_76 = arith.constant 6 : i32
      %mul3A_77 = arith.muli %mul3A_76, %scan3A_41 : i32
      %add3A_78 = arith.constant 2 : i32
      %add3A_79 = arith.addi %mul3A_77, %add3A_78 : i32
      %mul3A_80 = arith.constant 80 : i32
      %mul3A_81 = arith.muli %add3A_79, %mul3A_80 : i32
      %dma_start3A_82 = tpu.memref_slice %arg6[%mul3A_81] : memref<15360xi32, #tpu.memory_space<vmem>> -> memref<80xi32, #tpu.memory_space<vmem>>
      %dma_start3A_83 = arith.constant 0 : i32
      %dma_start3A_84 = arith.constant 0 : i32
      %dma_start3A_85 = tpu.memref_slice %arg5[%dma_start3A_83, %dma_start3A_84] : memref<6240x128xf32, #tpu.memory_space<vmem_shared>> -> memref<6240x128xf32, #tpu.memory_space<vmem_shared>>
      tpu.enqueue_indirect_dma source(%dma_start3A_85 : memref<6240x128xf32, #tpu.memory_space<vmem_shared>>) target(%arg9 : memref<80x128xf32, #tpu.memory_space<vmem>>) offsets(%dma_start3A_82 : memref<80xi32, #tpu.memory_space<vmem>>) semaphore(%arg15 : memref<!tpu.dma_semaphore, #tpu.memory_space<semaphore_mem>>)
      %gt3A_86 = arith.constant 0 : i32
      %gt3A_87 = arith.cmpi sgt, %scan3A_41, %gt3A_86 : i32
      %convert_element_type3A_88 = arith.extui %gt3A_87 : i1 to i32
      %cond3A_89 = arith.constant 0 : i32
      %cond3A_90 = arith.cmpi ne, %convert_element_type3A_88, %cond3A_89 : i32
      scf.if %cond3A_90 {
        %dma_wait3A_229 = arith.constant 0 : i32
        %dma_wait3A_230 = tpu.memref_slice %arg4[%mul3A_2, %dma_wait3A_229] : memref<491520x128xf32, #tpu.memory_space<hbm>> -> memref<80x128xf32, #tpu.memory_space<hbm>>
        %dma_wait3A_231 = arith.constant 0 : i32
        %dma_wait3A_232 = tpu.memref_slice %arg4[%mul3A_2, %dma_wait3A_231] : memref<491520x128xf32, #tpu.memory_space<hbm>> -> memref<80x128xf32, #tpu.memory_space<hbm>>
        tpu.wait_dma2 semaphore(%arg22 : memref<!tpu.dma_semaphore, #tpu.memory_space<semaphore_mem>>) src(%arg10 : memref<80x128xf32, #tpu.memory_space<vmem>>) dst(%dma_wait3A_232 : memref<80x128xf32, #tpu.memory_space<hbm>>)
      } else {
      }
      %mul3A_91 = arith.constant 6 : i32
      %mul3A_92 = arith.muli %mul3A_91, %scan3A_41 : i32
      %add3A_93 = arith.constant 3 : i32
      %add3A_94 = arith.addi %mul3A_92, %add3A_93 : i32
      %mul3A_95 = arith.constant 80 : i32
      %mul3A_96 = arith.muli %add3A_94, %mul3A_95 : i32
      %dma_start3A_97 = tpu.memref_slice %arg6[%mul3A_96] : memref<15360xi32, #tpu.memory_space<vmem>> -> memref<80xi32, #tpu.memory_space<vmem>>
      %dma_start3A_98 = arith.constant 0 : i32
      %dma_start3A_99 = arith.constant 0 : i32
      %dma_start3A_100 = tpu.memref_slice %arg5[%dma_start3A_98, %dma_start3A_99] : memref<6240x128xf32, #tpu.memory_space<vmem_shared>> -> memref<6240x128xf32, #tpu.memory_space<vmem_shared>>
      tpu.enqueue_indirect_dma source(%dma_start3A_100 : memref<6240x128xf32, #tpu.memory_space<vmem_shared>>) target(%arg10 : memref<80x128xf32, #tpu.memory_space<vmem>>) offsets(%dma_start3A_97 : memref<80xi32, #tpu.memory_space<vmem>>) semaphore(%arg16 : memref<!tpu.dma_semaphore, #tpu.memory_space<semaphore_mem>>)
      %gt3A_101 = arith.constant 0 : i32
      %gt3A_102 = arith.cmpi sgt, %scan3A_41, %gt3A_101 : i32
      %convert_element_type3A_103 = arith.extui %gt3A_102 : i1 to i32
      %cond3A_104 = arith.constant 0 : i32
      %cond3A_105 = arith.cmpi ne, %convert_element_type3A_103, %cond3A_104 : i32
      scf.if %cond3A_105 {
        %dma_wait3A_229 = arith.constant 0 : i32
        %dma_wait3A_230 = tpu.memref_slice %arg4[%mul3A_2, %dma_wait3A_229] : memref<491520x128xf32, #tpu.memory_space<hbm>> -> memref<80x128xf32, #tpu.memory_space<hbm>>
        %dma_wait3A_231 = arith.constant 0 : i32
        %dma_wait3A_232 = tpu.memref_slice %arg4[%mul3A_2, %dma_wait3A_231] : memref<491520x128xf32, #tpu.memory_space<hbm>> -> memref<80x128xf32, #tpu.memory_space<hbm>>
        tpu.wait_dma2 semaphore(%arg23 : memref<!tpu.dma_semaphore, #tpu.memory_space<semaphore_mem>>) src(%arg11 : memref<80x128xf32, #tpu.memory_space<vmem>>) dst(%dma_wait3A_232 : memref<80x128xf32, #tpu.memory_space<hbm>>)
      } else {
      }
      %mul3A_106 = arith.constant 6 : i32
      %mul3A_107 = arith.muli %mul3A_106, %scan3A_41 : i32
      %add3A_108 = arith.constant 4 : i32
      %add3A_109 = arith.addi %mul3A_107, %add3A_108 : i32
      %mul3A_110 = arith.constant 80 : i32
      %mul3A_111 = arith.muli %add3A_109, %mul3A_110 : i32
      %dma_start3A_112 = tpu.memref_slice %arg6[%mul3A_111] : memref<15360xi32, #tpu.memory_space<vmem>> -> memref<80xi32, #tpu.memory_space<vmem>>
      %dma_start3A_113 = arith.constant 0 : i32
      %dma_start3A_114 = arith.constant 0 : i32
      %dma_start3A_115 = tpu.memref_slice %arg5[%dma_start3A_113, %dma_start3A_114] : memref<6240x128xf32, #tpu.memory_space<vmem_shared>> -> memref<6240x128xf32, #tpu.memory_space<vmem_shared>>
      tpu.enqueue_indirect_dma source(%dma_start3A_115 : memref<6240x128xf32, #tpu.memory_space<vmem_shared>>) target(%arg11 : memref<80x128xf32, #tpu.memory_space<vmem>>) offsets(%dma_start3A_112 : memref<80xi32, #tpu.memory_space<vmem>>) semaphore(%arg17 : memref<!tpu.dma_semaphore, #tpu.memory_space<semaphore_mem>>)
      %gt3A_116 = arith.constant 0 : i32
      %gt3A_117 = arith.cmpi sgt, %scan3A_41, %gt3A_116 : i32
      %convert_element_type3A_118 = arith.extui %gt3A_117 : i1 to i32
      %cond3A_119 = arith.constant 0 : i32
      %cond3A_120 = arith.cmpi ne, %convert_element_type3A_118, %cond3A_119 : i32
      scf.if %cond3A_120 {
        %dma_wait3A_229 = arith.constant 0 : i32
        %dma_wait3A_230 = tpu.memref_slice %arg4[%mul3A_2, %dma_wait3A_229] : memref<491520x128xf32, #tpu.memory_space<hbm>> -> memref<80x128xf32, #tpu.memory_space<hbm>>
        %dma_wait3A_231 = arith.constant 0 : i32
        %dma_wait3A_232 = tpu.memref_slice %arg4[%mul3A_2, %dma_wait3A_231] : memref<491520x128xf32, #tpu.memory_space<hbm>> -> memref<80x128xf32, #tpu.memory_space<hbm>>
        tpu.wait_dma2 semaphore(%arg24 : memref<!tpu.dma_semaphore, #tpu.memory_space<semaphore_mem>>) src(%arg12 : memref<80x128xf32, #tpu.memory_space<vmem>>) dst(%dma_wait3A_232 : memref<80x128xf32, #tpu.memory_space<hbm>>)
      } else {
      }
      %mul3A_121 = arith.constant 6 : i32
      %mul3A_122 = arith.muli %mul3A_121, %scan3A_41 : i32
      %add3A_123 = arith.constant 5 : i32
      %add3A_124 = arith.addi %mul3A_122, %add3A_123 : i32
      %mul3A_125 = arith.constant 80 : i32
      %mul3A_126 = arith.muli %add3A_124, %mul3A_125 : i32
      %dma_start3A_127 = tpu.memref_slice %arg6[%mul3A_126] : memref<15360xi32, #tpu.memory_space<vmem>> -> memref<80xi32, #tpu.memory_space<vmem>>
      %dma_start3A_128 = arith.constant 0 : i32
      %dma_start3A_129 = arith.constant 0 : i32
      %dma_start3A_130 = tpu.memref_slice %arg5[%dma_start3A_128, %dma_start3A_129] : memref<6240x128xf32, #tpu.memory_space<vmem_shared>> -> memref<6240x128xf32, #tpu.memory_space<vmem_shared>>
      tpu.enqueue_indirect_dma source(%dma_start3A_130 : memref<6240x128xf32, #tpu.memory_space<vmem_shared>>) target(%arg12 : memref<80x128xf32, #tpu.memory_space<vmem>>) offsets(%dma_start3A_127 : memref<80xi32, #tpu.memory_space<vmem>>) semaphore(%arg18 : memref<!tpu.dma_semaphore, #tpu.memory_space<semaphore_mem>>)
      %add3A_131 = arith.constant 1 : i32
      %add3A_132 = arith.addi %scan3A_41, %add3A_131 : i32
      %lt3A_133 = arith.constant 32 : i32
      %lt3A_134 = arith.cmpi slt, %add3A_132, %lt3A_133 : i32
      %convert_element_type3A_135 = arith.extui %lt3A_134 : i1 to i32
      %cond3A_136 = arith.constant 0 : i32
      %cond3A_137 = arith.cmpi ne, %convert_element_type3A_135, %cond3A_136 : i32
      scf.if %cond3A_137 {
        %add3A_229 = arith.constant 1 : i32
        %add3A_230 = arith.addi %scan3A_41, %add3A_229 : i32
        %mul3A_231 = arith.constant 30 : i32
        %mul3A_232 = arith.muli %add3A_230, %mul3A_231 : i32
        %add3A_233 = arith.constant 2 : i32
        %add3A_234 = arith.addi %scan3A_41, %add3A_233 : i32
        %mul3A_235 = arith.constant 30 : i32
        %mul3A_236 = arith.muli %add3A_234, %mul3A_235 : i32
        %while3A = arith.constant 0 : i32
        %while3A_237 = arith.subi %mul3A_236, %mul3A_232 : i32
        %while3A_238 = arith.addi %mul3A_232, %while3A_237 : i32
        %while3A_239 = arith.constant 1 : i32
        %while3A_240 = arith.divsi %while3A_237, %while3A_239 : i32
        %while3A_241 = arith.muli %while3A_240, %while3A_239 : i32
        %while3A_242 = arith.addi %mul3A_232, %while3A_241 : i32
        %while3A_243 = arith.constant 1 : i32
        %while3A_244 = scf.for %while3A_247 = %mul3A_232 to %while3A_242 step %while3A_243 iter_args(%while3A_248 = %while3A) -> (i32)  : i32 {
          %mul3A_249 = arith.constant 16 : i32
          %mul3A_250 = arith.muli %while3A_247, %mul3A_249 : i32
          %get3A = arith.index_cast %mul3A_250 : i32 to index
          %get3A_251 = tpu.vector_load %arg6[%get3A] {strides = array<i32>} : memref<15360xi32, #tpu.memory_space<vmem>>, vector<16xi32>,
          %mul3A_252 = arith.constant 16 : i32
          %mul3A_253 = arith.muli %while3A_247, %mul3A_252 : i32
          %add3A_254 = arith.addi %mul3A_2, %mul3A_253 : i32
          %shift_right_logical3A = arith.constant 14 : i32
          %shift_right_logical3A_255 = arith.shrui %add3A_254, %shift_right_logical3A : i32
          %mul3A_256 = arith.constant 208 : i32
          %mul3A_257 = arith.muli %shift_right_logical3A_255, %mul3A_256 : i32
          %max3A = arith.constant 0 : i32
          %max3A_258 = vector.broadcast %max3A : i32 to vector<16xi32>
          %max3A_259 = arith.maxsi %get3A_251, %max3A_258 : vector<16xi32>
          %min3A = arith.constant 200 : i32
          %min3A_260 = vector.broadcast %min3A : i32 to vector<16xi32>
          %min3A_261 = arith.minsi %max3A_259, %min3A_260 : vector<16xi32>
          %add3A_262 = vector.broadcast %mul3A_257 : i32 to vector<16xi32>
          %add3A_263 = arith.addi %add3A_262, %min3A_261 : vector<16xi32>
          %mul3A_264 = arith.constant 16 : i32
          %mul3A_265 = arith.muli %while3A_247, %mul3A_264 : i32
          %swap3A = arith.index_cast %mul3A_265 : i32 to index
          %swap3A_266 = tpu.vector_load %arg6[%swap3A] {strides = array<i32>} : memref<15360xi32, #tpu.memory_space<vmem>>, vector<16xi32>,
          tpu.vector_store %arg6[%swap3A], %add3A_263 {strides = array<i32>} : memref<15360xi32, #tpu.memory_space<vmem>>, vector<16xi32>,
          %while3A_267 = arith.constant 0 : i32
          scf.yield %while3A_267 : i32
        }
        %while3A_245 = arith.constant 1 : i32
        %while3A_246 = scf.for %while3A_247 = %while3A_242 to %while3A_238 step %while3A_245 iter_args(%while3A_248 = %while3A_244) -> (i32)  : i32 {
          %mul3A_249 = arith.constant 16 : i32
          %mul3A_250 = arith.muli %while3A_247, %mul3A_249 : i32
          %get3A = arith.index_cast %mul3A_250 : i32 to index
          %get3A_251 = tpu.vector_load %arg6[%get3A] {strides = array<i32>} : memref<15360xi32, #tpu.memory_space<vmem>>, vector<16xi32>,
          %mul3A_252 = arith.constant 16 : i32
          %mul3A_253 = arith.muli %while3A_247, %mul3A_252 : i32
          %add3A_254 = arith.addi %mul3A_2, %mul3A_253 : i32
          %shift_right_logical3A = arith.constant 14 : i32
          %shift_right_logical3A_255 = arith.shrui %add3A_254, %shift_right_logical3A : i32
          %mul3A_256 = arith.constant 208 : i32
          %mul3A_257 = arith.muli %shift_right_logical3A_255, %mul3A_256 : i32
          %max3A = arith.constant 0 : i32
          %max3A_258 = vector.broadcast %max3A : i32 to vector<16xi32>
          %max3A_259 = arith.maxsi %get3A_251, %max3A_258 : vector<16xi32>
          %min3A = arith.constant 200 : i32
          %min3A_260 = vector.broadcast %min3A : i32 to vector<16xi32>
          %min3A_261 = arith.minsi %max3A_259, %min3A_260 : vector<16xi32>
          %add3A_262 = vector.broadcast %mul3A_257 : i32 to vector<16xi32>
          %add3A_263 = arith.addi %add3A_262, %min3A_261 : vector<16xi32>
          %mul3A_264 = arith.constant 16 : i32
          %mul3A_265 = arith.muli %while3A_247, %mul3A_264 : i32
          %swap3A = arith.index_cast %mul3A_265 : i32 to index
          %swap3A_266 = tpu.vector_load %arg6[%swap3A] {strides = array<i32>} : memref<15360xi32, #tpu.memory_space<vmem>>, vector<16xi32>,
          tpu.vector_store %arg6[%swap3A], %add3A_263 {strides = array<i32>} : memref<15360xi32, #tpu.memory_space<vmem>>, vector<16xi32>,
          %while3A_267 = arith.constant 0 : i32
          scf.yield %while3A_267 : i32
        }
      } else {
      }
      %dma_wait3A_138 = tpu.memref_slice %arg6[%mul3A_52] : memref<15360xi32, #tpu.memory_space<vmem>> -> memref<80xi32, #tpu.memory_space<vmem>>
      %dma_wait3A_139 = arith.constant 0 : i32
      %dma_wait3A_140 = arith.constant 0 : i32
      %dma_wait3A_141 = tpu.memref_slice %arg5[%dma_wait3A_139, %dma_wait3A_140] : memref<6240x128xf32, #tpu.memory_space<vmem_shared>> -> memref<6240x128xf32, #tpu.memory_space<vmem_shared>>
      tpu.wait_indirect_dma semaphore(%arg13 : memref<!tpu.dma_semaphore, #tpu.memory_space<semaphore_mem>>) src(%dma_wait3A_141 : memref<6240x128xf32, #tpu.memory_space<vmem_shared>>) dst(%arg7 : memref<80x128xf32, #tpu.memory_space<vmem>>)
      %mul3A_142 = arith.constant 6 : i32
      %mul3A_143 = arith.muli %mul3A_142, %scan3A_41 : i32
      %add3A_144 = arith.constant 0 : i32
      %add3A_145 = arith.addi %mul3A_143, %add3A_144 : i32
      %mul3A_146 = arith.constant 80 : i32
      %mul3A_147 = arith.muli %add3A_145, %mul3A_146 : i32
      %add3A_148 = arith.addi %mul3A_2, %mul3A_147 : i32
      %dma_start3A_149 = arith.constant 0 : i32
      %dma_start3A_150 = tpu.memref_slice %arg4[%add3A_148, %dma_start3A_149] : memref<491520x128xf32, #tpu.memory_space<hbm>> -> memref<80x128xf32, #tpu.memory_space<hbm>>
      %dma_start3A_151 = arith.constant 0 : i32
      %dma_start3A_152 = tpu.memref_slice %arg4[%add3A_148, %dma_start3A_151] : memref<491520x128xf32, #tpu.memory_space<hbm>> -> memref<80x128xf32, #tpu.memory_space<hbm>>
      tpu.enqueue_dma source(%arg7 : memref<80x128xf32, #tpu.memory_space<vmem>>) target(%dma_start3A_152 : memref<80x128xf32, #tpu.memory_space<hbm>>) target_semaphore(%arg19 : memref<!tpu.dma_semaphore, #tpu.memory_space<semaphore_mem>>)
      %dma_wait3A_153 = tpu.memref_slice %arg6[%mul3A_66] : memref<15360xi32, #tpu.memory_space<vmem>> -> memref<80xi32, #tpu.memory_space<vmem>>
      %dma_wait3A_154 = arith.constant 0 : i32
      %dma_wait3A_155 = arith.constant 0 : i32
      %dma_wait3A_156 = tpu.memref_slice %arg5[%dma_wait3A_154, %dma_wait3A_155] : memref<6240x128xf32, #tpu.memory_space<vmem_shared>> -> memref<6240x128xf32, #tpu.memory_space<vmem_shared>>
      tpu.wait_indirect_dma semaphore(%arg14 : memref<!tpu.dma_semaphore, #tpu.memory_space<semaphore_mem>>) src(%dma_wait3A_156 : memref<6240x128xf32, #tpu.memory_space<vmem_shared>>) dst(%arg8 : memref<80x128xf32, #tpu.memory_space<vmem>>)
      %mul3A_157 = arith.constant 6 : i32
      %mul3A_158 = arith.muli %mul3A_157, %scan3A_41 : i32
      %add3A_159 = arith.constant 1 : i32
      %add3A_160 = arith.addi %mul3A_158, %add3A_159 : i32
      %mul3A_161 = arith.constant 80 : i32
      %mul3A_162 = arith.muli %add3A_160, %mul3A_161 : i32
      %add3A_163 = arith.addi %mul3A_2, %mul3A_162 : i32
      %dma_start3A_164 = arith.constant 0 : i32
      %dma_start3A_165 = tpu.memref_slice %arg4[%add3A_163, %dma_start3A_164] : memref<491520x128xf32, #tpu.memory_space<hbm>> -> memref<80x128xf32, #tpu.memory_space<hbm>>
      %dma_start3A_166 = arith.constant 0 : i32
      %dma_start3A_167 = tpu.memref_slice %arg4[%add3A_163, %dma_start3A_166] : memref<491520x128xf32, #tpu.memory_space<hbm>> -> memref<80x128xf32, #tpu.memory_space<hbm>>
      tpu.enqueue_dma source(%arg8 : memref<80x128xf32, #tpu.memory_space<vmem>>) target(%dma_start3A_167 : memref<80x128xf32, #tpu.memory_space<hbm>>) target_semaphore(%arg20 : memref<!tpu.dma_semaphore, #tpu.memory_space<semaphore_mem>>)
      %dma_wait3A_168 = tpu.memref_slice %arg6[%mul3A_81] : memref<15360xi32, #tpu.memory_space<vmem>> -> memref<80xi32, #tpu.memory_space<vmem>>
      %dma_wait3A_169 = arith.constant 0 : i32
      %dma_wait3A_170 = arith.constant 0 : i32
      %dma_wait3A_171 = tpu.memref_slice %arg5[%dma_wait3A_169, %dma_wait3A_170] : memref<6240x128xf32, #tpu.memory_space<vmem_shared>> -> memref<6240x128xf32, #tpu.memory_space<vmem_shared>>
      tpu.wait_indirect_dma semaphore(%arg15 : memref<!tpu.dma_semaphore, #tpu.memory_space<semaphore_mem>>) src(%dma_wait3A_171 : memref<6240x128xf32, #tpu.memory_space<vmem_shared>>) dst(%arg9 : memref<80x128xf32, #tpu.memory_space<vmem>>)
      %mul3A_172 = arith.constant 6 : i32
      %mul3A_173 = arith.muli %mul3A_172, %scan3A_41 : i32
      %add3A_174 = arith.constant 2 : i32
      %add3A_175 = arith.addi %mul3A_173, %add3A_174 : i32
      %mul3A_176 = arith.constant 80 : i32
      %mul3A_177 = arith.muli %add3A_175, %mul3A_176 : i32
      %add3A_178 = arith.addi %mul3A_2, %mul3A_177 : i32
      %dma_start3A_179 = arith.constant 0 : i32
      %dma_start3A_180 = tpu.memref_slice %arg4[%add3A_178, %dma_start3A_179] : memref<491520x128xf32, #tpu.memory_space<hbm>> -> memref<80x128xf32, #tpu.memory_space<hbm>>
      %dma_start3A_181 = arith.constant 0 : i32
      %dma_start3A_182 = tpu.memref_slice %arg4[%add3A_178, %dma_start3A_181] : memref<491520x128xf32, #tpu.memory_space<hbm>> -> memref<80x128xf32, #tpu.memory_space<hbm>>
      tpu.enqueue_dma source(%arg9 : memref<80x128xf32, #tpu.memory_space<vmem>>) target(%dma_start3A_182 : memref<80x128xf32, #tpu.memory_space<hbm>>) target_semaphore(%arg21 : memref<!tpu.dma_semaphore, #tpu.memory_space<semaphore_mem>>)
      %dma_wait3A_183 = tpu.memref_slice %arg6[%mul3A_96] : memref<15360xi32, #tpu.memory_space<vmem>> -> memref<80xi32, #tpu.memory_space<vmem>>
      %dma_wait3A_184 = arith.constant 0 : i32
      %dma_wait3A_185 = arith.constant 0 : i32
      %dma_wait3A_186 = tpu.memref_slice %arg5[%dma_wait3A_184, %dma_wait3A_185] : memref<6240x128xf32, #tpu.memory_space<vmem_shared>> -> memref<6240x128xf32, #tpu.memory_space<vmem_shared>>
      tpu.wait_indirect_dma semaphore(%arg16 : memref<!tpu.dma_semaphore, #tpu.memory_space<semaphore_mem>>) src(%dma_wait3A_186 : memref<6240x128xf32, #tpu.memory_space<vmem_shared>>) dst(%arg10 : memref<80x128xf32, #tpu.memory_space<vmem>>)
      %mul3A_187 = arith.constant 6 : i32
      %mul3A_188 = arith.muli %mul3A_187, %scan3A_41 : i32
      %add3A_189 = arith.constant 3 : i32
      %add3A_190 = arith.addi %mul3A_188, %add3A_189 : i32
      %mul3A_191 = arith.constant 80 : i32
      %mul3A_192 = arith.muli %add3A_190, %mul3A_191 : i32
      %add3A_193 = arith.addi %mul3A_2, %mul3A_192 : i32
      %dma_start3A_194 = arith.constant 0 : i32
      %dma_start3A_195 = tpu.memref_slice %arg4[%add3A_193, %dma_start3A_194] : memref<491520x128xf32, #tpu.memory_space<hbm>> -> memref<80x128xf32, #tpu.memory_space<hbm>>
      %dma_start3A_196 = arith.constant 0 : i32
      %dma_start3A_197 = tpu.memref_slice %arg4[%add3A_193, %dma_start3A_196] : memref<491520x128xf32, #tpu.memory_space<hbm>> -> memref<80x128xf32, #tpu.memory_space<hbm>>
      tpu.enqueue_dma source(%arg10 : memref<80x128xf32, #tpu.memory_space<vmem>>) target(%dma_start3A_197 : memref<80x128xf32, #tpu.memory_space<hbm>>) target_semaphore(%arg22 : memref<!tpu.dma_semaphore, #tpu.memory_space<semaphore_mem>>)
      %dma_wait3A_198 = tpu.memref_slice %arg6[%mul3A_111] : memref<15360xi32, #tpu.memory_space<vmem>> -> memref<80xi32, #tpu.memory_space<vmem>>
      %dma_wait3A_199 = arith.constant 0 : i32
      %dma_wait3A_200 = arith.constant 0 : i32
      %dma_wait3A_201 = tpu.memref_slice %arg5[%dma_wait3A_199, %dma_wait3A_200] : memref<6240x128xf32, #tpu.memory_space<vmem_shared>> -> memref<6240x128xf32, #tpu.memory_space<vmem_shared>>
      tpu.wait_indirect_dma semaphore(%arg17 : memref<!tpu.dma_semaphore, #tpu.memory_space<semaphore_mem>>) src(%dma_wait3A_201 : memref<6240x128xf32, #tpu.memory_space<vmem_shared>>) dst(%arg11 : memref<80x128xf32, #tpu.memory_space<vmem>>)
      %mul3A_202 = arith.constant 6 : i32
      %mul3A_203 = arith.muli %mul3A_202, %scan3A_41 : i32
      %add3A_204 = arith.constant 4 : i32
      %add3A_205 = arith.addi %mul3A_203, %add3A_204 : i32
      %mul3A_206 = arith.constant 80 : i32
      %mul3A_207 = arith.muli %add3A_205, %mul3A_206 : i32
      %add3A_208 = arith.addi %mul3A_2, %mul3A_207 : i32
      %dma_start3A_209 = arith.constant 0 : i32
      %dma_start3A_210 = tpu.memref_slice %arg4[%add3A_208, %dma_start3A_209] : memref<491520x128xf32, #tpu.memory_space<hbm>> -> memref<80x128xf32, #tpu.memory_space<hbm>>
      %dma_start3A_211 = arith.constant 0 : i32
      %dma_start3A_212 = tpu.memref_slice %arg4[%add3A_208, %dma_start3A_211] : memref<491520x128xf32, #tpu.memory_space<hbm>> -> memref<80x128xf32, #tpu.memory_space<hbm>>
      tpu.enqueue_dma source(%arg11 : memref<80x128xf32, #tpu.memory_space<vmem>>) target(%dma_start3A_212 : memref<80x128xf32, #tpu.memory_space<hbm>>) target_semaphore(%arg23 : memref<!tpu.dma_semaphore, #tpu.memory_space<semaphore_mem>>)
      %dma_wait3A_213 = tpu.memref_slice %arg6[%mul3A_126] : memref<15360xi32, #tpu.memory_space<vmem>> -> memref<80xi32, #tpu.memory_space<vmem>>
      %dma_wait3A_214 = arith.constant 0 : i32
      %dma_wait3A_215 = arith.constant 0 : i32
      %dma_wait3A_216 = tpu.memref_slice %arg5[%dma_wait3A_214, %dma_wait3A_215] : memref<6240x128xf32, #tpu.memory_space<vmem_shared>> -> memref<6240x128xf32, #tpu.memory_space<vmem_shared>>
      tpu.wait_indirect_dma semaphore(%arg18 : memref<!tpu.dma_semaphore, #tpu.memory_space<semaphore_mem>>) src(%dma_wait3A_216 : memref<6240x128xf32, #tpu.memory_space<vmem_shared>>) dst(%arg12 : memref<80x128xf32, #tpu.memory_space<vmem>>)
      %mul3A_217 = arith.constant 6 : i32
      %mul3A_218 = arith.muli %mul3A_217, %scan3A_41 : i32
      %add3A_219 = arith.constant 5 : i32
      %add3A_220 = arith.addi %mul3A_218, %add3A_219 : i32
      %mul3A_221 = arith.constant 80 : i32
      %mul3A_222 = arith.muli %add3A_220, %mul3A_221 : i32
      %add3A_223 = arith.addi %mul3A_2, %mul3A_222 : i32
      %dma_start3A_224 = arith.constant 0 : i32
      %dma_start3A_225 = tpu.memref_slice %arg4[%add3A_223, %dma_start3A_224] : memref<491520x128xf32, #tpu.memory_space<hbm>> -> memref<80x128xf32, #tpu.memory_space<hbm>>
      %dma_start3A_226 = arith.constant 0 : i32
      %dma_start3A_227 = tpu.memref_slice %arg4[%add3A_223, %dma_start3A_226] : memref<491520x128xf32, #tpu.memory_space<hbm>> -> memref<80x128xf32, #tpu.memory_space<hbm>>
      tpu.enqueue_dma source(%arg12 : memref<80x128xf32, #tpu.memory_space<vmem>>) target(%dma_start3A_227 : memref<80x128xf32, #tpu.memory_space<hbm>>) target_semaphore(%arg24 : memref<!tpu.dma_semaphore, #tpu.memory_space<semaphore_mem>>)
      %scan3A_228 = arith.constant 0 : i32
      scf.yield %scan3A_228 : i32
    }
    %scan3A_17 = arith.constant 32 : i32
    %dma_wait3A = arith.constant 0 : i32
    %dma_wait3A_18 = tpu.memref_slice %arg4[%mul3A_2, %dma_wait3A] : memref<491520x128xf32, #tpu.memory_space<hbm>> -> memref<80x128xf32, #tpu.memory_space<hbm>>
    %dma_wait3A_19 = arith.constant 0 : i32
    %dma_wait3A_20 = tpu.memref_slice %arg4[%mul3A_2, %dma_wait3A_19] : memref<491520x128xf32, #tpu.memory_space<hbm>> -> memref<80x128xf32, #tpu.memory_space<hbm>>
    tpu.wait_dma2 semaphore(%arg19 : memref<!tpu.dma_semaphore, #tpu.memory_space<semaphore_mem>>) src(%arg7 : memref<80x128xf32, #tpu.memory_space<vmem>>) dst(%dma_wait3A_20 : memref<80x128xf32, #tpu.memory_space<hbm>>)
    %dma_wait3A_21 = arith.constant 0 : i32
    %dma_wait3A_22 = tpu.memref_slice %arg4[%mul3A_2, %dma_wait3A_21] : memref<491520x128xf32, #tpu.memory_space<hbm>> -> memref<80x128xf32, #tpu.memory_space<hbm>>
    %dma_wait3A_23 = arith.constant 0 : i32
    %dma_wait3A_24 = tpu.memref_slice %arg4[%mul3A_2, %dma_wait3A_23] : memref<491520x128xf32, #tpu.memory_space<hbm>> -> memref<80x128xf32, #tpu.memory_space<hbm>>
    tpu.wait_dma2 semaphore(%arg20 : memref<!tpu.dma_semaphore, #tpu.memory_space<semaphore_mem>>) src(%arg8 : memref<80x128xf32, #tpu.memory_space<vmem>>) dst(%dma_wait3A_24 : memref<80x128xf32, #tpu.memory_space<hbm>>)
    %dma_wait3A_25 = arith.constant 0 : i32
    %dma_wait3A_26 = tpu.memref_slice %arg4[%mul3A_2, %dma_wait3A_25] : memref<491520x128xf32, #tpu.memory_space<hbm>> -> memref<80x128xf32, #tpu.memory_space<hbm>>
    %dma_wait3A_27 = arith.constant 0 : i32
    %dma_wait3A_28 = tpu.memref_slice %arg4[%mul3A_2, %dma_wait3A_27] : memref<491520x128xf32, #tpu.memory_space<hbm>> -> memref<80x128xf32, #tpu.memory_space<hbm>>
    tpu.wait_dma2 semaphore(%arg21 : memref<!tpu.dma_semaphore, #tpu.memory_space<semaphore_mem>>) src(%arg9 : memref<80x128xf32, #tpu.memory_space<vmem>>) dst(%dma_wait3A_28 : memref<80x128xf32, #tpu.memory_space<hbm>>)
    %dma_wait3A_29 = arith.constant 0 : i32
    %dma_wait3A_30 = tpu.memref_slice %arg4[%mul3A_2, %dma_wait3A_29] : memref<491520x128xf32, #tpu.memory_space<hbm>> -> memref<80x128xf32, #tpu.memory_space<hbm>>
    %dma_wait3A_31 = arith.constant 0 : i32
    %dma_wait3A_32 = tpu.memref_slice %arg4[%mul3A_2, %dma_wait3A_31] : memref<491520x128xf32, #tpu.memory_space<hbm>> -> memref<80x128xf32, #tpu.memory_space<hbm>>
    tpu.wait_dma2 semaphore(%arg22 : memref<!tpu.dma_semaphore, #tpu.memory_space<semaphore_mem>>) src(%arg10 : memref<80x128xf32, #tpu.memory_space<vmem>>) dst(%dma_wait3A_32 : memref<80x128xf32, #tpu.memory_space<hbm>>)
    %dma_wait3A_33 = arith.constant 0 : i32
    %dma_wait3A_34 = tpu.memref_slice %arg4[%mul3A_2, %dma_wait3A_33] : memref<491520x128xf32, #tpu.memory_space<hbm>> -> memref<80x128xf32, #tpu.memory_space<hbm>>
    %dma_wait3A_35 = arith.constant 0 : i32
    %dma_wait3A_36 = tpu.memref_slice %arg4[%mul3A_2, %dma_wait3A_35] : memref<491520x128xf32, #tpu.memory_space<hbm>> -> memref<80x128xf32, #tpu.memory_space<hbm>>
    tpu.wait_dma2 semaphore(%arg23 : memref<!tpu.dma_semaphore, #tpu.memory_space<semaphore_mem>>) src(%arg11 : memref<80x128xf32, #tpu.memory_space<vmem>>) dst(%dma_wait3A_36 : memref<80x128xf32, #tpu.memory_space<hbm>>)
    %dma_wait3A_37 = arith.constant 0 : i32
    %dma_wait3A_38 = tpu.memref_slice %arg4[%mul3A_2, %dma_wait3A_37] : memref<491520x128xf32, #tpu.memory_space<hbm>> -> memref<80x128xf32, #tpu.memory_space<hbm>>
    %dma_wait3A_39 = arith.constant 0 : i32
    %dma_wait3A_40 = tpu.memref_slice %arg4[%mul3A_2, %dma_wait3A_39] : memref<491520x128xf32, #tpu.memory_space<hbm>> -> memref<80x128xf32, #tpu.memory_space<hbm>>
    tpu.wait_dma2 semaphore(%arg24 : memref<!tpu.dma_semaphore, #tpu.memory_space<semaphore_mem>>) src(%arg12 : memref<80x128xf32, #tpu.memory_space<vmem>>) dst(%dma_wait3A_40 : memref<80x128xf32, #tpu.memory_space<hbm>>)
    return
  }
}

module attributes {stable_mosaic.version = 14 : i64} {
  func.func @_prep_body(%arg0: memref<30x16384xi32, #tpu.memory_space<vmem>>, %arg1: memref<30x128xf32, #tpu.memory_space<vmem>>, %arg2: memref<208x128xf32, #tpu.memory_space<vmem>>, %arg3: memref<30x128xf32, #tpu.memory_space<vmem>>, %arg4: memref<1x128xf32, #tpu.memory_space<vmem>>, %arg5: memref<1x128xf32, #tpu.memory_space<vmem>>, %arg6: memref<30x208x128xf32, #tpu.memory_space<vmem>>, %arg7: memref<30x16384xf32, #tpu.memory_space<vmem>>, %arg8: memref<32x16384xi32, #tpu.memory_space<vmem>>) attributes {dimension_semantics = [], scalar_prefetch = 0 : i64, scratch_operands = 0 : i64, tpu.core_type = #tpu.core_type<tc>} {
    %get3A = arith.constant 0 : index
    %get3A_0 = arith.constant 0 : index
    %get3A_1 = vector.load %arg0[%get3A, %get3A_0] : memref<30x16384xi32, #tpu.memory_space<vmem>>, vector<30x16384xi32>
    %gt3A = arith.constant 0 : i32
    %gt3A_2 = vector.broadcast %gt3A : i32 to vector<30x16384xi32>
    %gt3A_3 = arith.cmpi sgt, %get3A_1, %gt3A_2 : vector<30x16384xi32>
    %convert_element_type3A = arith.extui %gt3A_3 : vector<30x16384xi1> to vector<30x16384xi32>
    %convert_element_type3A_4 = arith.sitofp %convert_element_type3A : vector<30x16384xi32> to vector<30x16384xf32>
    %swap3A = arith.constant 0 : index
    %swap3A_5 = arith.constant 0 : index
    %swap3A_6 = vector.load %arg7[%swap3A, %swap3A_5] : memref<30x16384xf32, #tpu.memory_space<vmem>>, vector<30x16384xf32>
    tpu.vector_store %arg7[%swap3A, %swap3A_5], %convert_element_type3A_4 {strides = array<i32>} : memref<30x16384xf32, #tpu.memory_space<vmem>>, vector<30x16384xf32>,
    %swap3A_7 = arith.constant 0 : index
    %swap3A_8 = arith.constant 0 : index
    %swap3A_9 = vector.load %arg8[%swap3A_7, %swap3A_8] : memref<32x16384xi32, #tpu.memory_space<vmem>>, vector<30x16384xi32>
    tpu.vector_store %arg8[%swap3A_7, %swap3A_8], %get3A_1 {strides = array<i32>} : memref<32x16384xi32, #tpu.memory_space<vmem>>, vector<30x16384xi32>,
    %broadcast_in_dim3A = arith.constant 0 : i32
    %broadcast_in_dim3A_10 = vector.broadcast %broadcast_in_dim3A : i32 to vector<2x16384xi32>
    %swap3A_11 = arith.constant 30 : index
    %swap3A_12 = arith.constant 0 : index
    %swap3A_13 = vector.load %arg8[%swap3A_11, %swap3A_12] : memref<32x16384xi32, #tpu.memory_space<vmem>>, vector<2x16384xi32>
    tpu.vector_store %arg8[%swap3A_11, %swap3A_12], %broadcast_in_dim3A_10 {strides = array<i32>} : memref<32x16384xi32, #tpu.memory_space<vmem>>, vector<2x16384xi32>,
    %get3A_14 = arith.constant 0 : index
    %get3A_15 = arith.constant 0 : index
    %get3A_16 = vector.load %arg1[%get3A_14, %get3A_15] : memref<30x128xf32, #tpu.memory_space<vmem>>, vector<30x128xf32>
    %get3A_17 = arith.constant 0 : index
    %get3A_18 = arith.constant 0 : index
    %get3A_19 = vector.load %arg3[%get3A_17, %get3A_18] : memref<30x128xf32, #tpu.memory_space<vmem>>, vector<30x128xf32>
    %add3A = arith.addf %get3A_16, %get3A_19 : vector<30x128xf32>
    %broadcast_in_dim3A_20 = vector.shape_cast %add3A : vector<30x128xf32> to vector<30x1x128xf32>
    %get3A_21 = arith.constant 0 : index
    %get3A_22 = arith.constant 0 : index
    %get3A_23 = vector.load %arg2[%get3A_21, %get3A_22] : memref<208x128xf32, #tpu.memory_space<vmem>>, vector<208x128xf32>
    %broadcast_in_dim3A_24 = vector.shape_cast %get3A_23 : vector<208x128xf32> to vector<1x208x128xf32>
    %add3A_25 = vector.broadcast %broadcast_in_dim3A_20 : vector<30x1x128xf32> to vector<30x208x128xf32>
    %add3A_26 = vector.broadcast %broadcast_in_dim3A_24 : vector<1x208x128xf32> to vector<30x208x128xf32>
    %add3A_27 = arith.addf %add3A_25, %add3A_26 : vector<30x208x128xf32>
    %reduce_sum3A = arith.constant dense<0.000000e+00> : vector<30x208xf32>
    %reduce_sum3A_28 = vector.multi_reduction <add>, %add3A_27, %reduce_sum3A [2] : vector<30x208x128xf32> to vector<30x208xf32>
    %broadcast_in_dim3A_29 = vector.shape_cast %reduce_sum3A_28 : vector<30x208xf32> to vector<30x208x1xf32>
    %div3A = arith.constant 1.280000e+02 : f32
    %div3A_30 = vector.broadcast %div3A : f32 to vector<30x208x1xf32>
    %div3A_31 = arith.divf %broadcast_in_dim3A_29, %div3A_30 : vector<30x208x1xf32>
    %sub3A = vector.broadcast %div3A_31 : vector<30x208x1xf32> to vector<30x208x128xf32>
    %sub3A_32 = arith.subf %add3A_27, %sub3A : vector<30x208x128xf32>
    %mul3A = arith.mulf %sub3A_32, %sub3A_32 : vector<30x208x128xf32>
    %reduce_sum3A_33 = arith.constant dense<0.000000e+00> : vector<30x208xf32>
    %reduce_sum3A_34 = vector.multi_reduction <add>, %mul3A, %reduce_sum3A_33 [2] : vector<30x208x128xf32> to vector<30x208xf32>
    %broadcast_in_dim3A_35 = vector.shape_cast %reduce_sum3A_34 : vector<30x208xf32> to vector<30x208x1xf32>
    %div3A_36 = arith.constant 1.280000e+02 : f32
    %div3A_37 = vector.broadcast %div3A_36 : f32 to vector<30x208x1xf32>
    %div3A_38 = arith.divf %broadcast_in_dim3A_35, %div3A_37 : vector<30x208x1xf32>
    %add3A_39 = arith.constant 9.99999974E-6 : f32
    %add3A_40 = vector.broadcast %add3A_39 : f32 to vector<30x208x1xf32>
    %add3A_41 = arith.addf %div3A_38, %add3A_40 : vector<30x208x1xf32>
    %rsqrt3A = math.rsqrt %add3A_41 : vector<30x208x1xf32>
    %mul3A_42 = vector.broadcast %rsqrt3A : vector<30x208x1xf32> to vector<30x208x128xf32>
    %mul3A_43 = arith.mulf %sub3A_32, %mul3A_42 : vector<30x208x128xf32>
    %get3A_44 = arith.constant 0 : index
    %get3A_45 = arith.constant 0 : index
    %get3A_46 = vector.load %arg4[%get3A_44, %get3A_45] : memref<1x128xf32, #tpu.memory_space<vmem>>, vector<1x128xf32>
    %broadcast_in_dim3A_47 = vector.shape_cast %get3A_46 : vector<1x128xf32> to vector<1x1x128xf32>
    %mul3A_48 = vector.broadcast %broadcast_in_dim3A_47 : vector<1x1x128xf32> to vector<30x208x128xf32>
    %mul3A_49 = arith.mulf %mul3A_43, %mul3A_48 : vector<30x208x128xf32>
    %get3A_50 = arith.constant 0 : index
    %get3A_51 = arith.constant 0 : index
    %get3A_52 = vector.load %arg5[%get3A_50, %get3A_51] : memref<1x128xf32, #tpu.memory_space<vmem>>, vector<1x128xf32>
    %broadcast_in_dim3A_53 = vector.shape_cast %get3A_52 : vector<1x128xf32> to vector<1x1x128xf32>
    %add3A_54 = vector.broadcast %broadcast_in_dim3A_53 : vector<1x1x128xf32> to vector<30x208x128xf32>
    %add3A_55 = arith.addf %mul3A_49, %add3A_54 : vector<30x208x128xf32>
    %swap3A_56 = arith.constant 0 : index
    %swap3A_57 = arith.constant 0 : index
    %swap3A_58 = arith.constant 0 : index
    %swap3A_59 = vector.load %arg6[%swap3A_56, %swap3A_57, %swap3A_58] : memref<30x208x128xf32, #tpu.memory_space<vmem>>, vector<30x208x128xf32>
    tpu.vector_store %arg6[%swap3A_56, %swap3A_57, %swap3A_58], %add3A_55 {strides = array<i32>} : memref<30x208x128xf32, #tpu.memory_space<vmem>>, vector<30x208x128xf32>,
    return
  }
}

</mosaic_0001>

<sc_bundles>
// kernel: kernel.4.cloned.1.call-start
scs
__scs_entry_jumppad:
0x0: {  	(pc) =	sbr.rel $0x88, $3  }
0x1: {  	(tag) =	ssettag $0x0;
	lr =	simm.s32 $0x1  }
0x2: {  	[smem:$0x3F9B] =	sst lr;
	_ =	strace $0xD0000000  }
0x3: {  	_ = 	snop  }
0x4: {  	_ = 	snop  }
0x5: {  	_ = 	snop  }
0x6: {  	_ = 	snop  }
0x7: {  	_ = 	snop  }
__scs_overlays_trampoline_lowered:
0x8: {  	[smem:$0x3FAA] =	sst s0  }
0x9: {  	[smem:$0x3FAB] =	sst s1  }
0xa: {  	[smem:$0x3FAC] =	sst s2  }
0xb: {  	[smem:$0x3FAD] =	sst s3  }
0xc: {  	[smem:$0x3FAE] =	sst s4  }
0xd: {  	[smem:$0x3FAF] =	sst s5  }
0xe: {  	[smem:$0x3FB0] =	sst s6  }
0xf: {  	[smem:$0x3FB1] =	sst s7  }
0x10: {  	[smem:$0x3FB2] =	sst s8  }
0x11: {  	[smem:$0x3FB3] =	sst s9;
	s0 =	simm.s32 @!p0 $0x0  }
0x12: {  	s1 =	sld [smem:$0x3F99];
	s0 =	simm.s32 @p0 $0x1  }
0x13: {  	[smem:$0x3FB4] =	sst s0;
	s0 =	simm.s32 @!p1 $0x0  }
0x14: {  	s2 =	sld [smem:$0x3F98];
	s0 =	simm.s32 @p1 $0x1  }
0x15: {  	[smem:$0x3FB5] =	sst s0;
	s0 =	simm.s32 @!p2 $0x0  }
0x16: {  	s3 =	sld [smem:$0x3FDB];
	s0 =	simm.s32 @p2 $0x1  }
0x17: {  	s4 =	simm.s32 $0x1BF5;
	[smem:$0x3FB7] =	sst s0  }
0x18: {  	s0 =	sld [smem:$0x3F9A];
	_ =	swait.ge [sflag:s4], $0x0  }
0x19: {  	s7 =	sld [smem:$0x3F9B]  }
0x1a: {  	s8 =	sadd.s32 $0xFFFFE003, lr  }
0x1b: {  	s9 =	sadd.s32 $0xFFFFFEF7, lr;
	s5 =	simm.s32 $0xFFFFFFFF;
	p2 =	slt.u32 s8, $0xFFFFF086  }
0x1c: {  	p1 =	slt.u32 s9, $0xF7A;
	s5 =	simm.s32 @!p2 $0x0  }
0x1d: {  	s5 =	simm.s32 @p1 $0x1;
	p0 =	seq.s32 s7, s2  }
0x1e: {  	s7 =	smul.u32 @!p0 $0xF7A, s2;
	p2 =	seq.s32 @!p0 s5, $0x0  }
0x1f: {  	s9 =	smul.u32 $0xF7A, s1;
	s8 =	simm.s32 @!p0 $0x1BF5;
	p2 =	por !p2, p0  }
0x20: {  	[sflag:s8] =	ssyncset.s32 @!p0 $0xFFFFF086;
	s6 =	sadd.s32 @!p0 s3, s7;
	s7 =	simm.s32 @!p0 $0x108  }
0x21: {  	s3 =	sadd.s32 s3, s9;
	s6 =	sadd.s32 @!p0 $0x88, s6;
	s7 =	simm.s32 @p2 $0x1082  }
0x22: {  	[simem:s7], [sflag:s8] =	dma.local @!p0 [hbm:s6], $0xF7A  }
0x23: {  	s9 =	sor.u32 $0xD0000000, s2;
	s6 =	simm.s32 $0x108;
	_ =	swait.ge @!p0 [sflag:s8], $0x0  }
0x24: {  	s3 =	sadd.s32 $0x88, s3;
	s6 =	simm.s32 @!p1 $0x1082;
	[sflag:s4] =	ssyncset.s32 $0xFFFFF086  }
0x25: {  	[simem:s6], [sflag:s4] =	dma.local [hbm:s3], $0xF7A  }
0x26: {  	[smem:$0x3F9B] =	sst s1;
	(tag) =	ssettag s2;
	_ =	strace s9  }
0x27: {  	s1 =	sld [smem:$0x3FAB]  }
0x28: {  	s2 =	sld [smem:$0x3FAC]  }
0x29: {  	s4 =	sld [smem:$0x3FAE]  }
0x2a: {  	p0 =	seq.s32 s5, $0x0;
	s5 =	sld [smem:$0x3FAF]  }
0x2b: {  	s6 =	sld [smem:$0x3FB0]  }
0x2c: {  	s7 =	sld [smem:$0x3FB1]  }
0x2d: {  	s3 =	simm.s32 $0x108;
	s8 =	sld [smem:$0x3FB2]  }
0x2e: {  	s3 =	simm.s32 @!p0 $0x1082;
	s9 =	sld [smem:$0x3FB3]  }
0x2f: {  	lr =	sadd.s32 s0, s3;
	s0 =	sld [smem:$0x3FAA]  }
0x30: {  	s3 =	sld [smem:$0x3FAD]  }
0x31: {  	[smem:$0x3FB6] =	sst s10  }
0x32: {  	s10 =	sld [smem:$0x3FB4];
	_ =	sdelay $0x3  }
0x33: {  	p0 =	seq.s32 s10, $0x1;
	s10 =	sld [smem:$0x3FB6];
	_ =	sdelay $0x3  }
0x34: {  	[smem:$0x3FB6] =	sst s10  }
0x35: {  	s10 =	sld [smem:$0x3FB5];
	_ =	sdelay $0x3  }
0x36: {  	p1 =	seq.s32 s10, $0x1;
	s10 =	sld [smem:$0x3FB6];
	_ =	sdelay $0x3  }
0x37: {  	[smem:$0x3FB6] =	sst s10  }
0x38: {  	s10 =	sld [smem:$0x3FB7]  }
0x39: {  	_ = 	snop;
	(pc) =	sbr.ind lr, $3  }
0x3a: {  	_ = 	snop  }
0x3b: {  	_ = 	snop  }
0x3c: {  	p2 =	seq.s32 s10, $0x1;
	s10 =	sld [smem:$0x3FB6]  }
0x3d: {  	_ =	shalt  }
0x3e: {  	_ =	shalt  }
0x3f: {  	_ =	shalt  }
0x40: {  	_ =	shalt  }
0x41: {  	_ =	shalt  }
0x42: {  	_ =	shalt  }
0x43: {  	_ =	shalt  }
0x44: {  	_ =	shalt  }
0x45: {  	_ =	shalt  }
0x46: {  	_ =	shalt  }
0x47: {  	_ =	shalt  }
0x48: {  	_ =	shalt  }
0x49: {  	_ =	shalt  }
0x4a: {  	_ =	shalt  }
0x4b: {  	_ =	shalt  }
0x4c: {  	_ =	shalt  }
0x4d: {  	_ =	shalt  }
0x4e: {  	_ =	shalt  }
0x4f: {  	_ =	shalt  }
0x50: {  	_ =	shalt  }
0x51: {  	_ =	shalt  }
0x52: {  	_ =	shalt  }
0x53: {  	_ =	shalt  }
0x54: {  	_ =	shalt  }
0x55: {  	_ =	shalt  }
0x56: {  	_ =	shalt  }
0x57: {  	_ =	shalt  }
0x58: {  	_ =	shalt  }
0x59: {  	_ =	shalt  }
0x5a: {  	_ =	shalt  }
0x5b: {  	_ =	shalt  }
0x5c: {  	_ =	shalt  }
0x5d: {  	_ =	shalt  }
0x5e: {  	_ =	shalt  }
0x5f: {  	_ =	shalt  }
0x60: {  	_ =	shalt  }
0x61: {  	_ =	shalt  }
0x62: {  	_ =	shalt  }
0x63: {  	_ =	shalt  }
0x64: {  	_ =	shalt  }
0x65: {  	_ =	shalt  }
0x66: {  	_ =	shalt  }
0x67: {  	_ =	shalt  }
0x68: {  	_ =	shalt  }
0x69: {  	_ =	shalt  }
0x6a: {  	_ =	shalt  }
0x6b: {  	_ =	shalt  }
0x6c: {  	_ =	shalt  }
0x6d: {  	_ =	shalt  }
0x6e: {  	_ =	shalt  }
0x6f: {  	_ =	shalt  }
0x70: {  	_ =	shalt  }
0x71: {  	_ =	shalt  }
0x72: {  	_ =	shalt  }
0x73: {  	_ =	shalt  }
0x74: {  	_ =	shalt  }
0x75: {  	_ =	shalt  }
0x76: {  	_ =	shalt  }
0x77: {  	_ =	shalt  }
0x78: {  	_ =	shalt  }
0x79: {  	_ =	shalt  }
0x7a: {  	_ =	shalt  }
0x7b: {  	_ =	shalt  }
0x7c: {  	_ =	shalt  }
0x7d: {  	_ =	shalt  }
0x7e: {  	_ =	shalt  }
0x7f: {  	_ =	shalt  }
0x80: {  	_ =	shalt  }
0x81: {  	_ =	shalt  }
0x82: {  	_ =	shalt  }
0x83: {  	_ =	shalt  }
0x84: {  	_ =	shalt  }
0x85: {  	_ =	shalt  }
0x86: {  	_ =	shalt  }
0x87: {  	_ =	shalt  }
.Lfunc_end0:
.L_simem_size_0:
called_computation_lowered:
.L_overlay_start_0:
0x88: {  	s2 =	sld [smem:$0x3FD9]  }
0x89: {  	s3 =	sld [smem:$0x3FFE];
	_ =	sdelay $0x1  }
0x8a: {  	s1 =	srdreg.scid  }
0x8b: {  	s0 =	sand.u32 $0x1, s1  }
0x8c: {  	s14 =	sshll.u32 s0, $0xA;
	s2 =	sadd.s32 s3, s2  }
0x8d: {  	s2 =	sadd.s32 s2, s14  }
0x8e: {  	[smem:$0x3FC2] =	sst s2  }
0x8f: {  	_ = 	snop  }
0x90: {  	s2 =	sld [smem:$0x3FD0];
	_ =	sdelay $0x2  }
0x91: {  	s15 =	simm.s32 $0xA;
	s4 =	simm.s32 $0x10  }
0x92: {  	[smem:s4], [sflag:s15] =	dma.local [hbm:s2], $0x1  }
0x93: {  	_ =	swait.eq [sflag:s15], $0x1  }
0x94: {  	[sflag:s15] =	ssyncset.done $0x0  }
0x95: {  	[sflag:s15] =	ssyncadd.s32 $0xFFFFFFFF  }
0x96: {  	s16 =	sld [smem:$0x10];
	(tm) =	ssettm $0x1  }
0x97: {  	s17 =	sld [smem:$0x3FFB];
	_ =	sdelay $0x3  }
0x98: {  	_ =	strace s17  }
0x99: {  	s3 =	sld [smem:$0x3FFC];
	_ =	sdelay $0x3  }
0x9a: {  	_ =	strace s3  }
0x9b: {  	s3 =	sld [smem:$0x3FFD];
	_ =	sdelay $0x3  }
0x9c: {  	_ =	strace s3  }
0x9d: {  	_ =	strace $0x8FFFFFFF  }
0x9e: {  	s18 =	sld [smem:$0x3FDB];
	_ =	sdelay $0x1  }
0x9f: {  	s19 =	simm.s32 $_scs_section_size  }
0xa0: {  	s5 =	simm.s32 $_size__tile_overlayer_lowered;
	s6 =	simm.s32 $_tile_overlayer_lowered  }
0xa1: {  	s22 =	simm.s32 $0x1BFF;
	s21 =	sshll.u32 s6, $0x1;
	s3 =	sadd.s32 s19, s18  }
0xa2: {  	s7 =	simm.s32 $0x0;
	s20 =	sshll.u32 s5, $0x1;
	s5 =	sadd.s32 s21, s3  }
0xa3: {  	[timem:s7], [sflag:s22] =	dma.local [hbm:s5], s20  }
0xa4: {  	_ =	swait.ge [sflag:s22], s20  }
0xa5: {  	s4 =	ssub.s32 $0x0, s20;
	[sflag:s22] =	ssyncset.done $0x0  }
0xa6: {  	[sflag:s22] =	ssyncadd.s32 s4;
	_ =	sdelay $0x1  }
0xa7: {  	s23 =	simm.s32 $0x1B8B  }
0xa8: {  	_ =	swait.ge [sflag:s23], $0x1  }
0xa9: {  	[sflag:s23] =	ssyncset.done $0x0  }
0xaa: {  	s25 =	simm.s32 $0x1B8E;
	s24 =	sld [smem:$0x3FFE];
	[sflag:s23] =	ssyncadd.s32 $0xFFFFFFFF  }
0xab: {  	s26 =	simm.s32 $execute0_lowered;
	[smem:$0x3FD2] =	sst s25  }
0xac: {  	s5 =	sshll.u32 s26, $0x1;
	_ =	strace $0x80000046;
	[dreg:$0x1] =	wrdreg $0xFFFFFFFF  }
0xad: {  	s28 =	simm.s32 $_size_execute0_lowered;
	s3 =	sadd.s32 s3, s5;
	[dreg:$0x0] =	wrdreg $0x0  }
0xae: {  	s5 =	sshll.u32 s28, $0x1;
	[dreg:$0x2] =	wrdreg s3  }
0xaf: {  	[dreg:$0x3] =	wrdreg s5  }
0xb0: {  	[dreg:$0x4] =	wrdreg $0xC0  }
0xb1: {  	_ =	task [dreg:s7], $0x5FFFF  }
0xb2: {  	[dreg:$0x1] =	wrdreg $0xFFFFFFFF  }
0xb3: {  	[dreg:$0x0] =	wrdreg $0x60  }
0xb4: {  	[dreg:$0x2] =	wrdreg s24  }
0xb5: {  	[dreg:$0x3] =	wrdreg s16  }
0xb6: {  	[dreg:$0x4] =	wrdreg $0x0  }
0xb7: {  	[dreg:$0x5] =	wrdreg $0x9  }
0xb8: {  	_ =	task.clear_ibuf [dreg:s7], $0x6FFFF;
	_ =	strace $0x90000046  }
0xb9: {  	s29 =	simm.s32 $0x9;
	_ =	strace $0x80000048  }
0xba: {  	_ =	swait.ge [sflag:s29], $0x1  }
0xbb: {  	[sflag:s29] =	ssyncadd.s32 $0xFFFFFFFF  }
0xbc: {  	_ =	strace $0x90000048  }
0xbd: {  	_ =	sfence  }
0xbe: {  	s30 =	sld [smem:$0x0];
	_ =	sdelay $0x2  }
0xbf: {  	s31 =	sshll.u32 s1, $0xD;
	s1 =	sshrl.u32 s1, $0x2  }
0xc0: {  	s3 =	sand.u32 $0x4000, s31;
	s1 =	sadd.s32 s1, s30  }
0xc1: {  	s0 =	sor.u32 s3, s0;
	s1 =	sshll.u32 s1, $0x11  }
0xc2: {  	s0 =	sor.u32 s1, s0  }
0xc3: {  	s0 =	sadd.s32 $0x8F2B, s0  }
0xc4: {  	[sflag:s0] =	ssyncadd.remote.s32 $0x1  }
0xc5: {  	_ =	sfence.sel $0xFFFF  }
0xc6: {  	[dreg:$0x0] =	wrdreg $0xFFFFFFFF;
	(pc) =	sbr.abs _section_cstart, $3  }
0xc7: {  	[dreg:$0x1] =	wrdreg $0xFFFFFFFF  }
0xc8: {  	_ =	task.clear_ibuf [dreg:s7], $0x2FFFF;
	_ =	strace $0x9FFFFFFF  }
0xc9: {  	(tm) =	ssettm $0x7FFFFFFF  }
tec
execute0_lowered:
.L_overlay_start_1:
0x0: {  	(tag) =	ssettag $0x1  }
0x1: {  	s0 =	rddreg [dreg:$0x0]  }
0x2: {  	s2 =	rddreg [dreg:$0x1]  }
0x3: {  	s3 =	rddreg [dreg:$0x2]  }
0x4: {  	s11 =	stileid.u32;
	s1 =	srdreg.scid  }
0x5: {  	s4 =	simm.s32 $0x0;
	s18 =	simm.s32 $0xFF00;
	s16 =	simm.s32 $0x12700  }
0x6: {  	s14 =	simm.s32 $0x14F00;
	s20 =	simm.s32 $0x17700;
	s28 =	simm.s32 $0x3  }
0x7: {  	s29 =	simm.s32 $0x4;
	s30 =	simm.s32 $0x5;
	s31 =	simm.s32 $0x6  }
0x8: {  	s12 =	simm.s32 $0x0;
	s1 =	sand.u32 $0x1, s1;
	s6 =	smul.u32 $0x1A00, s11  }
0x9: {  	s5 =	sshll.u32 s11, $0x1;
	[smem:$0x7FF] =	sst s4;
	s7 =	smul.u32 $0x34000, s11  }
0xa: {  	s23 =	smul.u32 $0x7800, s11;
	p0 =	seq.s32 s11, $0xF;
	s5 =	sor.u32 s1, s5  }
0xb: {  	_ =	strace $0x80000047;
	s9 =	ssub.s32 $0x2, s1;
	s1 =	smul.u32 $0x3C00, s1  }
0xc: {  	s5 =	smul.u32 $0x3C00, s5;
	s6 =	sadd.s32 s6, s0;
	s7 =	sshrl.u32 s7, $0x2  }
0xd: {  	s22 =	sshrl.u32 s9, $0x1;
	s7 =	sadd.s32 s7, s3;
	s6 =	sadd.s32 $0x1200, s6  }
0xe: {  	s26 =	sadd.s32 s1, s23;
	s1 =	sshll.u32 @!p0 s11, $0x6;
	s11 =	simm.s32 $0x50  }
0xf: {  	s8 =	sshrl.u32 s5, $0x3;
	[dreg:$0x4] =	wrdreg s6;
	s24 =	sshrl.u32 s5, $0xE  }
0x10: {  	s6 =	simm.s32 $0x9;
	s0 =	sadd.s32 s8, s0;
	s8 =	ssub.s32 s9, s22  }
0x11: {  	s10 =	smul.u32 $0xD0, s24;
	s22 =	simm.s32 $0x19F00;
	s0 =	sadd.s32 $0x19800, s0  }
0x12: {  	s24 =	simm.s32 $0x1C700;
	s25 =	smax.u32 s8, $0x1;
	[dreg:$0x5] =	wrdreg s0  }
.Ltmp0:
0x13: {  	s8 =	simm.s32 $0xB;
	[dreg:$0x6] =	wrdreg s25;
	(pc) =	sbr.rel .LBB2_1-.Ltmp0, $4  }
0x14: {  	s0 =	sor.u32 $0x1E0, s26;
	s25 =	simm.s32 $0x1;
	s26 =	simm.s32 $0x2  }
0x15: {  	v0 =	vmov s10;
	s10 =	simm.s32 $0xC;
	[dreg:$0x7] =	wrdreg s0;
	s0 =	sor.u32 @!p0 $0x1C0D, s1  }
0x16: {  	s1 =	simm.s32 $0x8;
	[dreg:$0x8] =	wrdreg s0;
	s0 =	sshrl.u32 @!p0 s7, $0x3  }
0x17: {  	s7 =	simm.s32 $0xA;
	[dreg:$0x9] =	wrdreg s0;
	s0 =	simm.s32 $0x7  }
.LBB2_14:
0x18: {  	_ =	swait.ge [sflag:s0], $0x2800  }
0x19: {  	[sflag:s0] =	ssyncset.done $0x0  }
0x1a: {  	[sflag:s0] =	ssyncadd.s32 $0xFFFFD800  }
0x1b: {  	_ =	swait.ge [sflag:s1], $0x2800  }
0x1c: {  	[sflag:s1] =	ssyncset.done $0x0  }
0x1d: {  	[sflag:s1] =	ssyncadd.s32 $0xFFFFD800  }
0x1e: {  	_ =	swait.ge [sflag:s6], $0x2800  }
0x1f: {  	[sflag:s6] =	ssyncset.done $0x0  }
0x20: {  	[sflag:s6] =	ssyncadd.s32 $0xFFFFD800  }
0x21: {  	_ =	swait.ge [sflag:s7], $0x2800  }
0x22: {  	[sflag:s7] =	ssyncset.done $0x0  }
0x23: {  	[sflag:s7] =	ssyncadd.s32 $0xFFFFD800  }
0x24: {  	_ =	swait.ge [sflag:s8], $0x2800  }
0x25: {  	[sflag:s8] =	ssyncset.done $0x0  }
0x26: {  	[sflag:s8] =	ssyncadd.s32 $0xFFFFD800  }
0x27: {  	_ =	swait.ge [sflag:s10], $0x2800  }
0x28: {  	s12 =	rddreg [dreg:$0xa]  }
0x29: {  	s9 =	rddreg [dreg:$0x6];
	s12 =	sadd.s32 $0x1, s12  }
0x2a: {  	p1 =	sne.s32 s12, s9  }
.Ltmp1:
0x2b: {  	_ = 	snop;
	(pc) =	sbr.rel @!p1 .LBB2_15-.Ltmp1, $3  }
0x2c: {  	_ =	sdelay $0x1  }
0x2d: {  	[sflag:s10] =	ssyncset.done $0x0  }
0x2e: {  	[sflag:s10] =	ssyncadd.s32 $0xFFFFD800  }
.LBB2_1:
0x2f: {  	[dreg:$0xa] =	wrdreg s12  }
0x30: {  	s9 =	rddreg [dreg:$0x4]  }
0x31: {  	s12 =	rddreg [dreg:$0x8]  }
0x32: {  	s13 =	rddreg [dreg:$0x9]  }
0x33: {  	[spmem:s13], [sflag:s12] =	dma.local @!p0 [hbm:s9], $0x1A00  }
0x34: {  	s9 =	simm.s32 @!p0 $0xD  }
0x35: {  	_ =	swait.ge @!p0 [sflag:s9], $0x1A00  }
0x36: {  	s21 =	simm.s32 $0xC300;
	[sflag:s9] =	ssyncset.done @!p0 $0x0  }
0x37: {  	s23 =	simm.s32 $0xD;
	s19 =	rddreg [dreg:$0x5];
	[sflag:s9] =	ssyncadd.s32 @!p0 $0xFFFFE600  }
0x38: {  	[tilespmem:s21], [sflag:$0xD] =	stream.linear.gather [hbm4b:s19+s4], $0x3C00, $0x38;
	[tilespmem:$0x1EF00] =	vst v63  }
0x39: {  	_ =	swait.ge [sflag:s23], $0x3C00  }
0x3a: {  	[sflag:s23] =	ssyncset.done $0x0  }
0x3b: {  	s12 =	simm.s32 $0x40;
	s9 =	simm.s32 $0x0;
	[sflag:s23] =	ssyncadd.s32 $0xFFFFC400  }
.LBB2_2:
0x3c: {  	p1 =	sne.s32 s12, $0x740;
	v1 =	vld [tilespmem:s9+$0xC300];
	_ =	sdelay $0x4  }
.Ltmp2:
0x3d: {  	vm0 =	vgt.s32 v1, $0x0;
	(pc) =	sbr.rel @p1 .LBB2_2-.Ltmp2, $4  }
0x3e: {  	v1 =	vnsel vm0, $0x0, v1  }
0x3f: {  	v1 =	vmin.u32 v1, $0xC8  }
0x40: {  	v1 =	vadd.s32 v0, v1  }
0x41: {  	[tilespmem:s9+$0xC300] =	vst v1;
	s9 =	sshra.s32 s12, $0x2;
	s12 =	sadd.s32 $0x40, s12  }
0x42: {  	v1 =	vld [tilespmem:s9+$0xC300];
	_ =	sdelay $0x4  }
0x43: {  	vm0 =	vgt.s32 v1, $0x0  }
0x44: {  	v1 =	vnsel vm0, $0x0, v1  }
.Ltmp3:
0x45: {  	v1 =	vmin.u32 v1, $0xC8;
	(pc) =	sbr.rel .LBB2_4-.Ltmp3, $4  }
0x46: {  	v1 =	vadd.s32 v0, v1  }
0x47: {  	[tilespmem:s9+$0xC300] =	vst v1  }
0x48: {  	[bflag:$0x0] =	sbarrier.arrive $0xFFFF  }
0x49: {  	s15 =	simm.s32 $0x0  }
.LBB2_16:
0x4a: {  	s17 =	simm.s32 $0x3A20;
	s9 =	simm.s32 $0x20  }
.LBB2_13:
0x4b: {  	_ =	swait.ge [sflag:s25], $0x2800;
	s14 =	sadd.s32 s5, s17  }
0x4c: {  	[sflag:s25] =	ssyncset.done $0x0;
	s14 =	sshll.u32 s14, $0x4  }
0x4d: {  	[sflag:s25] =	ssyncadd.s32 $0xFFFFD800;
	s14 =	sadd.s32 s2, s14  }
0x4e: {  	[hbm4b:s14+s4] =	stream.linear.scatter [tilespmem:s18], [sflag:$0x7], $0x2800, $0x38;
	[tilespmem:$0x1EF00] =	vst v63  }
0x4f: {  	s12 =	sadd.s32 s5, s12;
	_ =	swait.ge [sflag:s26], $0x2800  }
0x50: {  	s12 =	sshll.u32 s12, $0x4;
	[sflag:s26] =	ssyncset.done $0x0  }
0x51: {  	s12 =	sadd.s32 s2, s12;
	[sflag:s26] =	ssyncadd.s32 $0xFFFFD800  }
0x52: {  	[hbm4b:s12+s4] =	stream.linear.scatter [tilespmem:s16], [sflag:$0x8], $0x2800, $0x38;
	[tilespmem:$0x1EF00] =	vst v63  }
0x53: {  	s15 =	sadd.s32 s5, s13;
	_ =	swait.ge [sflag:s28], $0x2800  }
0x54: {  	s12 =	sshll.u32 s15, $0x4;
	[sflag:s28] =	ssyncset.done $0x0  }
0x55: {  	s14 =	simm.s32 $0x14F00;
	s12 =	sadd.s32 s2, s12;
	[sflag:s28] =	ssyncadd.s32 $0xFFFFD800  }
0x56: {  	[hbm4b:s12+s4] =	stream.linear.scatter [tilespmem:s14], [sflag:$0x9], $0x2800, $0x38;
	[tilespmem:$0x1EF00] =	vst v63  }
0x57: {  	s17 =	sadd.s32 s5, s23;
	_ =	swait.ge [sflag:s29], $0x2800  }
0x58: {  	s12 =	sshll.u32 s17, $0x4;
	[sflag:s29] =	ssyncset.done $0x0  }
0x59: {  	s12 =	sadd.s32 s2, s12;
	[sflag:s29] =	ssyncadd.s32 $0xFFFFD800  }
0x5a: {  	[hbm4b:s12+s4] =	stream.linear.scatter [tilespmem:s20], [sflag:$0xA], $0x2800, $0x38;
	[tilespmem:$0x1EF00] =	vst v63  }
0x5b: {  	s21 =	sadd.s32 s5, s21;
	_ =	swait.ge [sflag:s30], $0x2800  }
0x5c: {  	s12 =	sshll.u32 s21, $0x4;
	[sflag:s30] =	ssyncset.done $0x0  }
0x5d: {  	p1 =	slt.u32 s9, $0x20;
	s12 =	sadd.s32 s2, s12;
	[sflag:s30] =	ssyncadd.s32 $0xFFFFD800  }
0x5e: {  	[hbm4b:s12+s4] =	stream.linear.scatter [tilespmem:s22], [sflag:$0xB], $0x2800, $0x38;
	[tilespmem:$0x1EF00] =	vst v63  }
.Ltmp4:
0x5f: {  	_ = 	snop;
	(pc) =	sbr.rel @!p1 .LBB2_14-.Ltmp4, $4  }
0x60: {  	s23 =	sadd.s32 s5, s19;
	_ =	swait.ge [sflag:s31], $0x2800  }
0x61: {  	s12 =	sshll.u32 s23, $0x4;
	[sflag:s31] =	ssyncset.done $0x0  }
0x62: {  	s15 =	smov.u32 s9;
	s12 =	sadd.s32 s2, s12;
	[sflag:s31] =	ssyncadd.s32 $0xFFFFD800  }
0x63: {  	[hbm4b:s12+s4] =	stream.linear.scatter [tilespmem:s24], [sflag:$0xC], $0x2800, $0x38;
	[tilespmem:$0x1EF00] =	vst v63  }
.LBB2_4:
0x64: {  	p1 =	sne.s32 s15, $0x0  }
.Ltmp5:
0x65: {  	_ = 	snop;
	(pc) =	sbr.rel @!p1 .LBB2_5-.Ltmp5, $1  }
0x66: {  	_ =	sdelay $0x3  }
0x67: {  	_ =	swait.ge [sflag:s0], $0x2800;
	s17 =	smul.u32 $0x1E0, s15  }
0x68: {  	[sflag:s0] =	ssyncset.done $0x0  }
0x69: {  	[sflag:s0] =	ssyncadd.s32 $0xFFFFD800;
	s9 =	sadd.s32 $0xC300, s17  }
0x6a: {  	[tilespmem:s18], [sflag:$0x1] =	stream.indirect.gather [spmem:s3], $0x80, s9, s11, $0xb8;
	[tilespmem:$0x1EF00] =	vst v63  }
0x6b: {  	_ =	swait.ge [sflag:s1], $0x2800  }
0x6c: {  	[sflag:s1] =	ssyncset.done $0x0  }
0x6d: {  	s12 =	sadd.s32 $0xC350, s17;
	[sflag:s1] =	ssyncadd.s32 $0xFFFFD800  }
0x6e: {  	[tilespmem:s16], [sflag:$0x2] =	stream.indirect.gather [spmem:s3], $0x80, s12, s11, $0xb8;
	[tilespmem:$0x1EF00] =	vst v63  }
0x6f: {  	_ =	swait.ge [sflag:s6], $0x2800  }
0x70: {  	[sflag:s6] =	ssyncset.done $0x0  }
0x71: {  	s13 =	sadd.s32 $0xC3A0, s17;
	[sflag:s6] =	ssyncadd.s32 $0xFFFFD800  }
0x72: {  	[tilespmem:s14], [sflag:$0x3] =	stream.indirect.gather [spmem:s3], $0x80, s13, s11, $0xb8;
	[tilespmem:$0x1EF00] =	vst v63  }
0x73: {  	_ =	swait.ge [sflag:s7], $0x2800  }
0x74: {  	[sflag:s7] =	ssyncset.done $0x0  }
0x75: {  	s19 =	sadd.s32 $0xC3F0, s17;
	[sflag:s7] =	ssyncadd.s32 $0xFFFFD800  }
0x76: {  	[tilespmem:s20], [sflag:$0x4] =	stream.indirect.gather [spmem:s3], $0x80, s19, s11, $0xb8;
	[tilespmem:$0x1EF00] =	vst v63  }
0x77: {  	_ =	swait.ge [sflag:s8], $0x2800  }
0x78: {  	[sflag:s8] =	ssyncset.done $0x0  }
0x79: {  	p1 =	seq.s32 s15, $0x1F;
	s21 =	sadd.s32 $0xC440, s17;
	[sflag:s8] =	ssyncadd.s32 $0xFFFFD800  }
0x7a: {  	[tilespmem:s22], [sflag:$0x5] =	stream.indirect.gather [spmem:s3], $0x80, s21, s11, $0xb8;
	[tilespmem:$0x1EF00] =	vst v63  }
.Ltmp6:
0x7b: {  	_ =	swait.ge [sflag:s10], $0x2800;
	(pc) =	sbr.rel @p1 .LBB2_16-.Ltmp6, $4  }
0x7c: {  	s23 =	sadd.s32 $0xC490, s17;
	[sflag:s10] =	ssyncset.done $0x0  }
0x7d: {  	s12 =	sadd.s32 $0x50, s17;
	s13 =	sadd.s32 $0xA0, s17;
	[sflag:s10] =	ssyncadd.s32 $0xFFFFD800  }
0x7e: {  	[tilespmem:s24], [sflag:$0x6] =	stream.indirect.gather [spmem:s3], $0x80, s23, s11, $0xb8;
	[tilespmem:$0x1EF00] =	vst v63  }
0x7f: {  	s19 =	sadd.s32 $0x190, s17;
	s21 =	sadd.s32 $0x140, s17;
	s23 =	sadd.s32 $0xF0, s17  }
.Ltmp7:
0x80: {  	(pc) =	sbr.rel .LBB2_8-.Ltmp7, $2  }
0x81: {  	_ =	sdelay $0x2  }
0x82: {  	s9 =	sadd.s32 $0x1, s15  }
.LBB2_5:
0x83: {  	s12 =	simm.s32 $0x50;
	s9 =	simm.s32 $0xC300  }
0x84: {  	[tilespmem:s18], [sflag:$0x1] =	stream.indirect.gather [spmem:s3], $0x80, s9, s12, $0xb8;
	[tilespmem:$0x1EF00] =	vst v63  }
0x85: {  	s13 =	simm.s32 $0xC350  }
0x86: {  	[tilespmem:s16], [sflag:$0x2] =	stream.indirect.gather [spmem:s3], $0x80, s13, s12, $0xb8;
	[tilespmem:$0x1EF00] =	vst v63  }
0x87: {  	s17 =	simm.s32 $0xC3A0  }
0x88: {  	[tilespmem:s14], [sflag:$0x3] =	stream.indirect.gather [spmem:s3], $0x80, s17, s12, $0xb8;
	[tilespmem:$0x1EF00] =	vst v63  }
0x89: {  	s19 =	simm.s32 $0xC3F0  }
0x8a: {  	[tilespmem:s20], [sflag:$0x4] =	stream.indirect.gather [spmem:s3], $0x80, s19, s12, $0xb8;
	[tilespmem:$0x1EF00] =	vst v63  }
0x8b: {  	s21 =	simm.s32 $0xC440;
	s23 =	simm.s32 $0xC490  }
0x8c: {  	[tilespmem:s22], [sflag:$0x5] =	stream.indirect.gather [spmem:s3], $0x80, s21, s12, $0xb8;
	[tilespmem:$0x1EF00] =	vst v63  }
0x8d: {  	s9 =	simm.s32 $0x1;
	s13 =	simm.s32 $0xA0;
	s17 =	simm.s32 $0x0  }
0x8e: {  	[tilespmem:s24], [sflag:$0x6] =	stream.indirect.gather [spmem:s3], $0x80, s23, s12, $0xb8;
	[tilespmem:$0x1EF00] =	vst v63  }
0x8f: {  	s19 =	simm.s32 $0x190;
	s21 =	simm.s32 $0x140;
	s23 =	simm.s32 $0xF0  }
.LBB2_8:
0x90: {  	s14 =	smul.u32 $0x1E, s15  }
0x91: {  	s16 =	smul.u32 $0x1E, s9  }
0x92: {  	s14 =	sadd.s32 $0x3C, s14  }
0x93: {  	p1 =	sge.u32 s16, s14  }
.Ltmp8:
0x94: {  	_ = 	snop;
	(pc) =	sbr.rel @p1 .LBB2_9-.Ltmp8, $1  }
0x95: {  	_ =	sdelay $0x3  }
0x96: {  	s14 =	smul.u32 $0x780, s15;
	_ =	sdelay $0x1  }
0x97: {  	s14 =	sshra.s32 s14, $0x2  }
0x98: {  	s14 =	sadd.s32 $0xC4E0, s14  }
0x99: {  	v1 =	vmov s14;
	_ =	sdelay $0x3  }
0x9a: {  	s18 =	simm.s32 $0x0  }
0x9b: {  	v2 =	vld.idx.msk [tilespmem:v1+s18+$0x0 ss:$0x1], $0xffff;
	_ =	sdelay $0x1  }
0x9c: {  	s15 =	smul.u32 $0x1E0, s15  }
0x9d: {  	s16 =	rddreg [dreg:$0x7]  }
0x9e: {  	s15 =	sadd.s32 s15, s16  }
0x9f: {  	s14 =	sshrl.u32 s15, $0xE;
	vm0 =	vgt.s32 v2, $0x0  }
0xa0: {  	s14 =	smul.u32 $0xD0, s14;
	v2 =	vnsel vm0, $0x0, v2  }
0xa1: {  	v2 =	vmin.u32 v2, $0xC8  }
0xa2: {  	v2 =	vadd.s32 s14, v2  }
0xa3: {  	s16 =	simm.s32 $0x80;
	s14 =	simm.s32 $0x10;
	[tilespmem:v1+s18+$0x0 ss:$0x1] =	vst.idx.msk $0xffff, v2  }
.LBB2_11:
0xa4: {  	p1 =	sne.s32 s16, $0x740;
	v2 =	vld.idx.msk [tilespmem:v1+s14+$0x0 ss:$0x1], $0xffff;
	_ =	sdelay $0x4  }
0xa5: {  	s15 =	sadd.s32 $0x10, s15  }
.Ltmp9:
0xa6: {  	s18 =	sshrl.u32 s15, $0xE;
	vm0 =	vgt.s32 v2, $0x0;
	(pc) =	sbr.rel @p1 .LBB2_11-.Ltmp9, $4  }
0xa7: {  	s18 =	smul.u32 $0xD0, s18;
	v2 =	vnsel vm0, $0x0, v2  }
0xa8: {  	v2 =	vmin.u32 v2, $0xC8  }
0xa9: {  	v2 =	vadd.s32 s18, v2  }
0xaa: {  	[tilespmem:v1+s14+$0x0 ss:$0x1] =	vst.idx.msk $0xffff, v2;
	s14 =	sshra.s32 s16, $0x2;
	s16 =	sadd.s32 $0x40, s16  }
0xab: {  	_ =	sdelay $0x3  }
0xac: {  	v2 =	vld.idx.msk [tilespmem:v1+s14+$0x0 ss:$0x1], $0xffff;
	_ =	sdelay $0x3  }
0xad: {  	s15 =	sadd.s32 $0x10, s15  }
.Ltmp10:
0xae: {  	s15 =	sshrl.u32 s15, $0xE;
	vm0 =	vgt.s32 v2, $0x0;
	(pc) =	sbr.rel .LBB2_13-.Ltmp10, $4  }
0xaf: {  	s15 =	smul.u32 $0xD0, s15;
	v2 =	vnsel vm0, $0x0, v2  }
0xb0: {  	v2 =	vmin.u32 v2, $0xC8  }
0xb1: {  	v2 =	vadd.s32 s15, v2  }
0xb2: {  	s18 =	simm.s32 $0xFF00;
	s16 =	simm.s32 $0x12700;
	[tilespmem:v1+s14+$0x0 ss:$0x1] =	vst.idx.msk $0xffff, v2  }
.LBB2_9:
.Ltmp11:
0xb3: {  	(pc) =	sbr.rel .LBB2_13-.Ltmp11, $2  }
0xb4: {  	_ =	sdelay $0x2  }
0xb5: {  	s16 =	simm.s32 $0x12700  }
.LBB2_15:
0xb6: {  	_ =	sfence.sel $0x180000  }
0xb7: {  	[bflag:$0x0] =	sbarrier.arrive $0xFFFF  }
0xb8: {  	_ =	strace $0x90000047  }
0xb9: {  	s0 =	stileid.u32;
	[bflag:$0x2] =	sbarrier.arrive $0xFFFF  }
0xba: {  	p0 =	sne.s32 s0, $0x0;
	s0 =	rddreg [dreg:$0x3]  }
0xbb: {  	s0 =	sadd.s32 @!p0 $0x100000, s0  }
0xbc: {  	[sflag:s0] =	ssyncadd.tile.s32 @!p0 $0x1;
	_ =	shalt  }
.Lfunc_end2:
_tile_overlayer_lowered:
.L_overlay_start_2:
0xbd: {  	(tag) =	ssettag $0x2  }
0xbe: {  	s0 =	rddreg [dreg:$0x0];
	s2 =	stileid.u32  }
0xbf: {  	s1 =	rddreg [dreg:$0x1];
	p0 =	sne.s32 s2, $0x0  }
0xc0: {  	s3 =	rddreg [dreg:$0x2];
	[bflag:$0x3] =	sbarrier.arrive $0xFFFF;
	s2 =	simm.s32 @!p0 $0x1C0D  }
0xc1: {  	[timem:s3], [sflag:s2] =	dma.local @!p0 [hbm:s0], s1  }
0xc2: {  	s0 =	simm.s32 @!p0 $0xD  }
0xc3: {  	_ =	swait.ge @!p0 [sflag:s0], s1  }
0xc4: {  	s1 =	ssub.s32 @!p0 $0x0, s1;
	[sflag:s0] =	ssyncset.done @!p0 $0x0  }
0xc5: {  	[sflag:s0] =	ssyncadd.s32 @!p0 s1  }
0xc6: {  	[bflag:$0x3] =	sbarrier.arrive $0xFFFF  }
0xc7: {  	_ =	shalt  }

</sc_bundles>
